<compile_context>
chip_gen: v7x
topology: tpu7x:2x2x1
jax: 0.10.2.dev20260603
libtpu: 0.0.44.dev20260713+nightly
codegen_flags: <defaults>
</compile_context>

<pallas_src>
import functools

import jax
import jax.numpy as jnp
from jax import lax
from jax.experimental import pallas as pl
from jax.experimental.pallas import tpu as pltpu
from jax.experimental.pallas import tpu_sc as plsc

_F = 26
_V = 100000
_U = 32
_E = 16
_D = 13
_B = 16384
_H1 = 128
_H2 = 64
_DNN_W = 0.5

_NC, _NS = 2, 16
_NW = _NC * _NS
_ROWS_W = _B * _F // _NW
_CHUNK = 128
_KFIRE = 8
_GROUP = _CHUNK * _KFIRE
_NGROUP = _ROWS_W // _GROUP
_IDXROWS_W = _ROWS_W // _CHUNK


def _sc_gather_body(emb_hbm, lin_hbm, idx_hbm, g_hbm, linv_hbm,
                    idx_v, rows_v, lin_v, gsem, lsem):
    wid = lax.axis_index("s") * _NC + lax.axis_index("c")
    pltpu.sync_copy(idx_hbm.at[pl.ds(wid * _IDXROWS_W, _IDXROWS_W)], idx_v)
    out_base = wid * _ROWS_W

    def group(jj, carry):
        waits = []
        for i in range(_KFIRE):
            ix = idx_v.at[jj * _KFIRE + i]
            waits.append(pltpu.async_copy(
                emb_hbm.at[ix], rows_v.at[pl.ds(i * _CHUNK, _CHUNK)], gsem))
            waits.append(pltpu.async_copy(
                lin_hbm.at[ix], lin_v.at[pl.ds(i * _CHUNK, _CHUNK)], lsem))
        for w in waits:
            w.wait()
        off = out_base + jj * _GROUP
        pltpu.sync_copy(rows_v, g_hbm.at[pl.ds(off, _GROUP)])
        pltpu.sync_copy(lin_v, linv_hbm.at[pl.ds(off, _GROUP)])
        return carry

    lax.fori_loop(0, _NGROUP, group, 0)


_sc_gather = functools.partial(
    pl.kernel,
    out_type=[jax.ShapeDtypeStruct((_B * _F, _U), jnp.float32),
              jax.ShapeDtypeStruct((_B * _F,), jnp.float32)],
    mesh=plsc.VectorSubcoreMesh(core_axis_name="c", subcore_axis_name="s"),
    scratch_types=[pltpu.VMEM((_IDXROWS_W, _CHUNK), jnp.int32),
                   pltpu.VMEM((_GROUP, _U), jnp.float32),
                   pltpu.VMEM((_GROUP,), jnp.float32),
                   pltpu.SemaphoreType.DMA,
                   pltpu.SemaphoreType.DMA],
    compiler_params=pltpu.CompilerParams(use_tc_tiling_on_sc=False),
)(_sc_gather_body)


_BB = 512


def _tc_body(g_ref, linv_ref, xd_ref, o2wbd_ref, o2bf_ref, ssel_ref,
             dw1f_ref, db1f_ref, dw2bd_ref, db2f_ref, w1_ref, b1_ref,
             w2_ref, b2_ref, fcw_ref, fcb_ref, ldw_ref, ldb_ref,
             gsum_ref, o_ref):
    f32 = jnp.float32
    g = jnp.maximum(g_ref[...], 0.0)
    o2s = jnp.dot(g, o2wbd_ref[...], preferred_element_type=f32) + o2bf_ref[...]
    xd = xd_ref[...]
    xrep = jnp.dot(xd, ssel_ref[...], preferred_element_type=f32)
    t = jnp.maximum(xrep * dw1f_ref[...] + db1f_ref[...], 0.0)
    o2d = jnp.dot(t, dw2bd_ref[...], preferred_element_type=f32) + db2f_ref[...]
    order2 = jnp.concatenate([o2s, o2d], axis=1)
    deep = jnp.maximum(jnp.dot(order2, w1_ref[...], preferred_element_type=f32)
                       + b1_ref[...], 0.0)
    deep = jnp.maximum(jnp.dot(deep, w2_ref[...], preferred_element_type=f32)
                       + b2_ref[...], 0.0)
    deep = jnp.dot(deep, fcw_ref[...], preferred_element_type=f32) + fcb_ref[...]
    sum_vec = jnp.dot(order2, gsum_ref[...], preferred_element_type=f32)
    sq_vec = jnp.dot(order2 * order2, gsum_ref[...], preferred_element_type=f32)
    cross = 0.5 * jnp.sum(sum_vec * sum_vec - sq_vec, axis=1, keepdims=True)
    linear = (jnp.sum(linv_ref[...], axis=1, keepdims=True)
              + jnp.dot(xd, ldw_ref[...], preferred_element_type=f32)
              + ldb_ref[...])
    o_ref[...] = linear + cross + _DNN_W * deep


def _tc_forward(g, linv, xd, o2wbd, o2bf, ssel, dw1f, db1f, dw2bd, db2f,
                w1, b1, w2, b2, fcw, fcb, ldw, ldb, gsum):
    nblk = _B // _BB
    row_spec = lambda a: pl.BlockSpec((_BB, a.shape[1]), lambda i: (i, 0))
    full_spec = lambda a: pl.BlockSpec(a.shape, lambda i: (0, 0))
    in_specs = [row_spec(g), row_spec(linv), row_spec(xd)] + [
        full_spec(a) for a in (o2wbd, o2bf, ssel, dw1f, db1f, dw2bd, db2f,
                               w1, b1, w2, b2, fcw, fcb, ldw, ldb, gsum)]
    return pl.pallas_call(
        _tc_body,
        grid=(nblk,),
        in_specs=in_specs,
        out_specs=pl.BlockSpec((_BB, 1), lambda i: (i, 0)),
        out_shape=jax.ShapeDtypeStruct((_B, 1), jnp.float32),
        compiler_params=pltpu.CompilerParams(
            dimension_semantics=("arbitrary",)),
    )(g, linv, xd, o2wbd, o2bf, ssel, dw1f, db1f, dw2bd, db2f,
      w1, b1, w2, b2, fcw, fcb, ldw, ldb, gsum)


def kernel(x_sparse, x_dense, lin_tables, emb_tables, o2W, o2b,
           lin_dense_W, lin_dense_b, dW1, db1, dW2, db2,
           deepW1, deepb1, deepW2, deepb2, fcW, fcb):
    f32 = jnp.float32
    flat_idx = (x_sparse.astype(jnp.int32)
                + (jnp.arange(_F, dtype=jnp.int32) * _V)[None, :]).reshape(-1)
    idx2d = flat_idx.reshape(_B * _F // _CHUNK, _CHUNK)

    g_flat, lin_flat = _sc_gather(
        emb_tables.reshape(_F * _V, _U), lin_tables.reshape(_F * _V), idx2d)

    eyeF = jnp.eye(_F, dtype=f32)
    o2wbd = (eyeF[:, None, :, None] * o2W[:, :, None, :]).reshape(_F * _U, _F * _E)
    eyeD = jnp.eye(_D, dtype=f32)
    dw2bd = (eyeD[:, None, :, None] * dW2[:, :, None, :]).reshape(_D * _U, _D * _E)
    ssel = jnp.repeat(eyeD, _U, axis=1)
    gsum = jnp.tile(jnp.eye(_E, dtype=f32), (_F + _D, 1))

    out = _tc_forward(
        g_flat.reshape(_B, _F * _U), lin_flat.reshape(_B, _F), x_dense,
        o2wbd, o2b.reshape(1, _F * _E), ssel,
        dW1.reshape(1, _D * _U), db1.reshape(1, _D * _U),
        dw2bd, db2.reshape(1, _D * _E),
        deepW1, deepb1.reshape(1, _H1), deepW2, deepb2.reshape(1, _H2),
        fcW, fcb.reshape(1, 1), lin_dense_W, lin_dense_b.reshape(1, 1), gsum)
    return out

# --- scband reference (transcript-rebuilt; emitter-appended) ---
"""Pipeline reference for scband-deep-fm-37357625541093 (READ-ONLY COPY).

The authoritative reference and input builder live on the scoring server;
editing this copy changes nothing except your own understanding.
"""

import jax, jax.numpy as jnp
import numpy as np

F = 26
V = 100000
UNITS = 32
E = 16
D = 13
B = 16384
H1 = 128
H2 = 64
DNN_W = 0.5


def setup_inputs(seed: int = 0) -> dict:
    key = jax.random.key(seed)
    ks = jax.random.split(key, 12)
    x_sparse = jax.random.randint(ks[0], (B, F), 0, V)
    x_dense = jax.random.normal(ks[1], (B, D), dtype=jnp.float32)
    lin_tables = jax.random.normal(ks[2], (F, V), dtype=jnp.float32) * 0.01
    emb_tables = jax.random.normal(ks[3], (F, V, UNITS), dtype=jnp.float32) * 0.02
    o2W = jax.random.normal(ks[4], (F, UNITS, E), dtype=jnp.float32) / np.sqrt(UNITS)
    o2b = jnp.zeros((F, E), dtype=jnp.float32)
    lin_dense_W = jax.random.normal(ks[5], (D, 1), dtype=jnp.float32) / np.sqrt(D)
    lin_dense_b = jnp.zeros((1,), dtype=jnp.float32)
    dW1 = jax.random.normal(ks[6], (D, UNITS), dtype=jnp.float32)
    db1 = jnp.zeros((D, UNITS), dtype=jnp.float32)
    dW2 = jax.random.normal(ks[7], (D, UNITS, E), dtype=jnp.float32) / np.sqrt(UNITS)
    db2 = jnp.zeros((D, E), dtype=jnp.float32)
    din = (F + D) * E
    deepW1 = jax.random.normal(ks[8], (din, H1), dtype=jnp.float32) / np.sqrt(din)
    deepb1 = jnp.zeros((H1,), dtype=jnp.float32)
    deepW2 = jax.random.normal(ks[9], (H1, H2), dtype=jnp.float32) / np.sqrt(H1)
    deepb2 = jnp.zeros((H2,), dtype=jnp.float32)
    fcW = jax.random.normal(ks[10], (H2, 1), dtype=jnp.float32) / np.sqrt(H2)
    fcb = jnp.zeros((1,), dtype=jnp.float32)
    return dict(x_sparse=x_sparse, x_dense=x_dense, lin_tables=lin_tables,
                emb_tables=emb_tables, o2W=o2W, o2b=o2b,
                lin_dense_W=lin_dense_W, lin_dense_b=lin_dense_b,
                dW1=dW1, db1=db1, dW2=dW2, db2=db2,
                deepW1=deepW1, deepb1=deepb1, deepW2=deepW2, deepb2=deepb2,
                fcW=fcW, fcb=fcb)


def reference(x_sparse, x_dense, lin_tables, emb_tables, o2W, o2b,
              lin_dense_W, lin_dense_b, dW1, db1, dW2, db2,
              deepW1, deepb1, deepW2, deepb2, fcW, fcb):
    b = x_sparse.shape[0]
    f_idx = jnp.arange(F)[None, :]
    # first-order sparse: per-field 1-dim embedding lookups, summed over fields
    lin_sparse = lin_tables[f_idx, x_sparse]            # [B, F] gather
    linear_part = jnp.sum(lin_sparse, axis=1, keepdims=True)  # [B, 1]
    # first-order dense
    linear_part = linear_part + x_dense @ lin_dense_W + lin_dense_b
    # second-order sparse: Embedding(V, units) -> ReLU -> (Dropout=identity in eval) -> Linear(units, E)
    g = emb_tables[f_idx, x_sparse]                     # [B, F, UNITS] gather
    g = jax.nn.relu(g)
    o2s = jnp.einsum('bfu,fue->bfe', g, o2W) + o2b[None]  # [B, F, E]
    # second-order dense: per-dense-feature Linear(1, units) -> ReLU -> Linear(units, E)
    t = jax.nn.relu(x_dense[:, :, None] * dW1[None] + db1[None])  # [B, D, UNITS]
    o2d = jnp.einsum('bdu,due->bde', t, dW2) + db2[None]          # [B, D, E]
    order2 = jnp.concatenate([o2s, o2d], axis=1)        # [B, F+D, E]
    # deep part
    deep = order2.reshape(b, -1)
    deep = jax.nn.relu(deep @ deepW1 + deepb1)
    deep = jax.nn.relu(deep @ deepW2 + deepb2)
    deep = deep @ fcW + fcb                             # [B, 1]
    # FM cross part
    square_of_sum = jnp.sum(order2, axis=1) ** 2        # [B, E]
    sum_of_square = jnp.sum(order2 ** 2, axis=1)        # [B, E]
    cross = 0.5 * jnp.sum(square_of_sum - sum_of_square, axis=1, keepdims=True)
    return linear_part + cross + DNN_W * deep

if __name__ == "__main__":
    import jax
    _d = setup_inputs()
    print(jax.jit(kernel)(*tuple(_d.values())))

</pallas_src>

<mosaic_0001>
#map = affine_map<(d0, d1) -> (0, 0)>
#map1 = affine_map<(d0, d1) -> (0)>
module attributes {stable_mosaic.version = 14 : i64} {
  func.func @_sc_gather_body(%arg0: i32, %arg1: i32, %arg2: memref<2600000x32xf32, #tpu.memory_space<hbm>>, %arg3: memref<2600000xf32, #tpu.memory_space<hbm>>, %arg4: memref<3328x128xi32, #tpu.memory_space<hbm>>, %arg5: memref<425984x32xf32, #tpu.memory_space<hbm>>, %arg6: memref<425984xf32, #tpu.memory_space<hbm>>, %arg7: memref<104x128xi32, #tpu.memory_space<vmem>>, %arg8: memref<1024x32xf32, #tpu.memory_space<vmem>>, %arg9: memref<1024xf32, #tpu.memory_space<vmem>>, %arg10: memref<!tpu.dma_semaphore, #tpu.memory_space<semaphore_mem>>, %arg11: memref<!tpu.dma_semaphore, #tpu.memory_space<semaphore_mem>>) attributes {dimension_semantics = [#tpu.dimension_semantics<core_parallel>, #tpu.dimension_semantics<subcore_parallel>], iteration_bounds = array<i64: 2, 16>, scalar_prefetch = 0 : i64, scratch_operands = 5 : i64, tpu.core_type = #tpu.core_type<sc_vector_subcore>, window_params = [{transform_indices = #map}, {transform_indices = #map1}, {transform_indices = #map}, {transform_indices = #map}, {transform_indices = #map1}]} {
    %mul3A = arith.constant 2 : i32
    %mul3A_0 = arith.muli %arg1, %mul3A : i32
    %add3A = arith.addi %mul3A_0, %arg0 : i32
    %mul3A_1 = arith.constant 104 : i32
    %mul3A_2 = arith.muli %add3A, %mul3A_1 : i32
    "tpu.region"() ({
      %run_scoped3A = tpu.sem_alloc : memref<!tpu.dma_semaphore, #tpu.memory_space<semaphore_mem>>
      %dma_start3A = arith.constant 0 : i32
      %dma_start3A_10 = tpu.memref_slice %arg4[%mul3A_2, %dma_start3A] : memref<3328x128xi32, #tpu.memory_space<hbm>> -> memref<104x128xi32, #tpu.memory_space<hbm>>
      %dma_start3A_11 = arith.constant 0 : i32
      %dma_start3A_12 = tpu.memref_slice %arg4[%mul3A_2, %dma_start3A_11] : memref<3328x128xi32, #tpu.memory_space<hbm>> -> memref<104x128xi32, #tpu.memory_space<hbm>>
      tpu.enqueue_dma source(%dma_start3A_12 : memref<104x128xi32, #tpu.memory_space<hbm>>) target(%arg7 : memref<104x128xi32, #tpu.memory_space<vmem>>) target_semaphore(%run_scoped3A : memref<!tpu.dma_semaphore, #tpu.memory_space<semaphore_mem>>)
      %dma_wait3A = arith.constant 0 : i32
      %dma_wait3A_13 = tpu.memref_slice %arg4[%mul3A_2, %dma_wait3A] : memref<3328x128xi32, #tpu.memory_space<hbm>> -> memref<104x128xi32, #tpu.memory_space<hbm>>
      %dma_wait3A_14 = arith.constant 0 : i32
      %dma_wait3A_15 = tpu.memref_slice %arg4[%mul3A_2, %dma_wait3A_14] : memref<3328x128xi32, #tpu.memory_space<hbm>> -> memref<104x128xi32, #tpu.memory_space<hbm>>
      tpu.wait_dma2 semaphore(%run_scoped3A : memref<!tpu.dma_semaphore, #tpu.memory_space<semaphore_mem>>) src(%dma_wait3A_15 : memref<104x128xi32, #tpu.memory_space<hbm>>) dst(%arg7 : memref<104x128xi32, #tpu.memory_space<vmem>>)
      tpu.yield
    }) : () -> ()
    %mul3A_3 = arith.constant 13312 : i32
    %mul3A_4 = arith.muli %add3A, %mul3A_3 : i32
    %scan3A = arith.constant 0 : i32
    %scan3A_5 = arith.constant 0 : i32
    %scan3A_6 = arith.constant 13 : i32
    %scan3A_7 = arith.addi %scan3A_5, %scan3A_6 : i32
    %scan3A_8 = arith.constant 1 : i32
    scf.for %scan3A_10 = %scan3A_5 to %scan3A_7 step %scan3A_8  : i32 {
      %mul3A_11 = arith.constant 8 : i32
      %mul3A_12 = arith.muli %scan3A_10, %mul3A_11 : i32
      %add3A_13 = arith.constant 0 : i32
      %add3A_14 = arith.addi %mul3A_12, %add3A_13 : i32
      %dma_start3A = arith.constant 0 : i32
      %dma_start3A_15 = arith.constant 0 : i32
      %dma_start3A_16 = tpu.memref_slice %arg8[%dma_start3A, %dma_start3A_15] : memref<1024x32xf32, #tpu.memory_space<vmem>> -> memref<128x32xf32, #tpu.memory_space<vmem>>
      %dma_start3A_17 = arith.constant 0 : i32
      %dma_start3A_18 = tpu.memref_slice %arg7[%add3A_14, %dma_start3A_17] : memref<104x128xi32, #tpu.memory_space<vmem>> -> memref<1x128xi32, #tpu.memory_space<vmem>>
      %dma_start3A_19 = tpu.memref_squeeze %dma_start3A_18 : memref<1x128xi32, #tpu.memory_space<vmem>> -> memref<128xi32, #tpu.memory_space<vmem>>
      %dma_start3A_20 = arith.constant 0 : i32
      %dma_start3A_21 = arith.constant 0 : i32
      %dma_start3A_22 = tpu.memref_slice %arg2[%dma_start3A_20, %dma_start3A_21] : memref<2600000x32xf32, #tpu.memory_space<hbm>> -> memref<2600000x32xf32, #tpu.memory_space<hbm>>
      tpu.enqueue_indirect_dma source(%dma_start3A_22 : memref<2600000x32xf32, #tpu.memory_space<hbm>>) target(%dma_start3A_16 : memref<128x32xf32, #tpu.memory_space<vmem>>) offsets(%dma_start3A_19 : memref<128xi32, #tpu.memory_space<vmem>>) semaphore(%arg10 : memref<!tpu.dma_semaphore, #tpu.memory_space<semaphore_mem>>)
      %dma_start3A_23 = arith.constant 0 : i32
      %dma_start3A_24 = tpu.memref_slice %arg9[%dma_start3A_23] : memref<1024xf32, #tpu.memory_space<vmem>> -> memref<128xf32, #tpu.memory_space<vmem>>
      %dma_start3A_25 = arith.constant 0 : i32
      %dma_start3A_26 = tpu.memref_slice %arg7[%add3A_14, %dma_start3A_25] : memref<104x128xi32, #tpu.memory_space<vmem>> -> memref<1x128xi32, #tpu.memory_space<vmem>>
      %dma_start3A_27 = tpu.memref_squeeze %dma_start3A_26 : memref<1x128xi32, #tpu.memory_space<vmem>> -> memref<128xi32, #tpu.memory_space<vmem>>
      %dma_start3A_28 = arith.constant 0 : i32
      %dma_start3A_29 = tpu.memref_slice %arg3[%dma_start3A_28] : memref<2600000xf32, #tpu.memory_space<hbm>> -> memref<2600000xf32, #tpu.memory_space<hbm>>
      tpu.enqueue_indirect_dma source(%dma_start3A_29 : memref<2600000xf32, #tpu.memory_space<hbm>>) target(%dma_start3A_24 : memref<128xf32, #tpu.memory_space<vmem>>) offsets(%dma_start3A_27 : memref<128xi32, #tpu.memory_space<vmem>>) semaphore(%arg11 : memref<!tpu.dma_semaphore, #tpu.memory_space<semaphore_mem>>)
      %mul3A_30 = arith.constant 8 : i32
      %mul3A_31 = arith.muli %scan3A_10, %mul3A_30 : i32
      %add3A_32 = arith.constant 1 : i32
      %add3A_33 = arith.addi %mul3A_31, %add3A_32 : i32
      %dma_start3A_34 = arith.constant 128 : i32
      %dma_start3A_35 = arith.constant 0 : i32
      %dma_start3A_36 = tpu.memref_slice %arg8[%dma_start3A_34, %dma_start3A_35] : memref<1024x32xf32, #tpu.memory_space<vmem>> -> memref<128x32xf32, #tpu.memory_space<vmem>>
      %dma_start3A_37 = arith.constant 0 : i32
      %dma_start3A_38 = tpu.memref_slice %arg7[%add3A_33, %dma_start3A_37] : memref<104x128xi32, #tpu.memory_space<vmem>> -> memref<1x128xi32, #tpu.memory_space<vmem>>
      %dma_start3A_39 = tpu.memref_squeeze %dma_start3A_38 : memref<1x128xi32, #tpu.memory_space<vmem>> -> memref<128xi32, #tpu.memory_space<vmem>>
      %dma_start3A_40 = arith.constant 0 : i32
      %dma_start3A_41 = arith.constant 0 : i32
      %dma_start3A_42 = tpu.memref_slice %arg2[%dma_start3A_40, %dma_start3A_41] : memref<2600000x32xf32, #tpu.memory_space<hbm>> -> memref<2600000x32xf32, #tpu.memory_space<hbm>>
      tpu.enqueue_indirect_dma source(%dma_start3A_42 : memref<2600000x32xf32, #tpu.memory_space<hbm>>) target(%dma_start3A_36 : memref<128x32xf32, #tpu.memory_space<vmem>>) offsets(%dma_start3A_39 : memref<128xi32, #tpu.memory_space<vmem>>) semaphore(%arg10 : memref<!tpu.dma_semaphore, #tpu.memory_space<semaphore_mem>>)
      %dma_start3A_43 = arith.constant 128 : i32
      %dma_start3A_44 = tpu.memref_slice %arg9[%dma_start3A_43] : memref<1024xf32, #tpu.memory_space<vmem>> -> memref<128xf32, #tpu.memory_space<vmem>>
      %dma_start3A_45 = arith.constant 0 : i32
      %dma_start3A_46 = tpu.memref_slice %arg7[%add3A_33, %dma_start3A_45] : memref<104x128xi32, #tpu.memory_space<vmem>> -> memref<1x128xi32, #tpu.memory_space<vmem>>
      %dma_start3A_47 = tpu.memref_squeeze %dma_start3A_46 : memref<1x128xi32, #tpu.memory_space<vmem>> -> memref<128xi32, #tpu.memory_space<vmem>>
      %dma_start3A_48 = arith.constant 0 : i32
      %dma_start3A_49 = tpu.memref_slice %arg3[%dma_start3A_48] : memref<2600000xf32, #tpu.memory_space<hbm>> -> memref<2600000xf32, #tpu.memory_space<hbm>>
      tpu.enqueue_indirect_dma source(%dma_start3A_49 : memref<2600000xf32, #tpu.memory_space<hbm>>) target(%dma_start3A_44 : memref<128xf32, #tpu.memory_space<vmem>>) offsets(%dma_start3A_47 : memref<128xi32, #tpu.memory_space<vmem>>) semaphore(%arg11 : memref<!tpu.dma_semaphore, #tpu.memory_space<semaphore_mem>>)
      %mul3A_50 = arith.constant 8 : i32
      %mul3A_51 = arith.muli %scan3A_10, %mul3A_50 : i32
      %add3A_52 = arith.constant 2 : i32
      %add3A_53 = arith.addi %mul3A_51, %add3A_52 : i32
      %dma_start3A_54 = arith.constant 256 : i32
      %dma_start3A_55 = arith.constant 0 : i32
      %dma_start3A_56 = tpu.memref_slice %arg8[%dma_start3A_54, %dma_start3A_55] : memref<1024x32xf32, #tpu.memory_space<vmem>> -> memref<128x32xf32, #tpu.memory_space<vmem>>
      %dma_start3A_57 = arith.constant 0 : i32
      %dma_start3A_58 = tpu.memref_slice %arg7[%add3A_53, %dma_start3A_57] : memref<104x128xi32, #tpu.memory_space<vmem>> -> memref<1x128xi32, #tpu.memory_space<vmem>>
      %dma_start3A_59 = tpu.memref_squeeze %dma_start3A_58 : memref<1x128xi32, #tpu.memory_space<vmem>> -> memref<128xi32, #tpu.memory_space<vmem>>
      %dma_start3A_60 = arith.constant 0 : i32
      %dma_start3A_61 = arith.constant 0 : i32
      %dma_start3A_62 = tpu.memref_slice %arg2[%dma_start3A_60, %dma_start3A_61] : memref<2600000x32xf32, #tpu.memory_space<hbm>> -> memref<2600000x32xf32, #tpu.memory_space<hbm>>
      tpu.enqueue_indirect_dma source(%dma_start3A_62 : memref<2600000x32xf32, #tpu.memory_space<hbm>>) target(%dma_start3A_56 : memref<128x32xf32, #tpu.memory_space<vmem>>) offsets(%dma_start3A_59 : memref<128xi32, #tpu.memory_space<vmem>>) semaphore(%arg10 : memref<!tpu.dma_semaphore, #tpu.memory_space<semaphore_mem>>)
      %dma_start3A_63 = arith.constant 256 : i32
      %dma_start3A_64 = tpu.memref_slice %arg9[%dma_start3A_63] : memref<1024xf32, #tpu.memory_space<vmem>> -> memref<128xf32, #tpu.memory_space<vmem>>
      %dma_start3A_65 = arith.constant 0 : i32
      %dma_start3A_66 = tpu.memref_slice %arg7[%add3A_53, %dma_start3A_65] : memref<104x128xi32, #tpu.memory_space<vmem>> -> memref<1x128xi32, #tpu.memory_space<vmem>>
      %dma_start3A_67 = tpu.memref_squeeze %dma_start3A_66 : memref<1x128xi32, #tpu.memory_space<vmem>> -> memref<128xi32, #tpu.memory_space<vmem>>
      %dma_start3A_68 = arith.constant 0 : i32
      %dma_start3A_69 = tpu.memref_slice %arg3[%dma_start3A_68] : memref<2600000xf32, #tpu.memory_space<hbm>> -> memref<2600000xf32, #tpu.memory_space<hbm>>
      tpu.enqueue_indirect_dma source(%dma_start3A_69 : memref<2600000xf32, #tpu.memory_space<hbm>>) target(%dma_start3A_64 : memref<128xf32, #tpu.memory_space<vmem>>) offsets(%dma_start3A_67 : memref<128xi32, #tpu.memory_space<vmem>>) semaphore(%arg11 : memref<!tpu.dma_semaphore, #tpu.memory_space<semaphore_mem>>)
      %mul3A_70 = arith.constant 8 : i32
      %mul3A_71 = arith.muli %scan3A_10, %mul3A_70 : i32
      %add3A_72 = arith.constant 3 : i32
      %add3A_73 = arith.addi %mul3A_71, %add3A_72 : i32
      %dma_start3A_74 = arith.constant 384 : i32
      %dma_start3A_75 = arith.constant 0 : i32
      %dma_start3A_76 = tpu.memref_slice %arg8[%dma_start3A_74, %dma_start3A_75] : memref<1024x32xf32, #tpu.memory_space<vmem>> -> memref<128x32xf32, #tpu.memory_space<vmem>>
      %dma_start3A_77 = arith.constant 0 : i32
      %dma_start3A_78 = tpu.memref_slice %arg7[%add3A_73, %dma_start3A_77] : memref<104x128xi32, #tpu.memory_space<vmem>> -> memref<1x128xi32, #tpu.memory_space<vmem>>
      %dma_start3A_79 = tpu.memref_squeeze %dma_start3A_78 : memref<1x128xi32, #tpu.memory_space<vmem>> -> memref<128xi32, #tpu.memory_space<vmem>>
      %dma_start3A_80 = arith.constant 0 : i32
      %dma_start3A_81 = arith.constant 0 : i32
      %dma_start3A_82 = tpu.memref_slice %arg2[%dma_start3A_80, %dma_start3A_81] : memref<2600000x32xf32, #tpu.memory_space<hbm>> -> memref<2600000x32xf32, #tpu.memory_space<hbm>>
      tpu.enqueue_indirect_dma source(%dma_start3A_82 : memref<2600000x32xf32, #tpu.memory_space<hbm>>) target(%dma_start3A_76 : memref<128x32xf32, #tpu.memory_space<vmem>>) offsets(%dma_start3A_79 : memref<128xi32, #tpu.memory_space<vmem>>) semaphore(%arg10 : memref<!tpu.dma_semaphore, #tpu.memory_space<semaphore_mem>>)
      %dma_start3A_83 = arith.constant 384 : i32
      %dma_start3A_84 = tpu.memref_slice %arg9[%dma_start3A_83] : memref<1024xf32, #tpu.memory_space<vmem>> -> memref<128xf32, #tpu.memory_space<vmem>>
      %dma_start3A_85 = arith.constant 0 : i32
      %dma_start3A_86 = tpu.memref_slice %arg7[%add3A_73, %dma_start3A_85] : memref<104x128xi32, #tpu.memory_space<vmem>> -> memref<1x128xi32, #tpu.memory_space<vmem>>
      %dma_start3A_87 = tpu.memref_squeeze %dma_start3A_86 : memref<1x128xi32, #tpu.memory_space<vmem>> -> memref<128xi32, #tpu.memory_space<vmem>>
      %dma_start3A_88 = arith.constant 0 : i32
      %dma_start3A_89 = tpu.memref_slice %arg3[%dma_start3A_88] : memref<2600000xf32, #tpu.memory_space<hbm>> -> memref<2600000xf32, #tpu.memory_space<hbm>>
      tpu.enqueue_indirect_dma source(%dma_start3A_89 : memref<2600000xf32, #tpu.memory_space<hbm>>) target(%dma_start3A_84 : memref<128xf32, #tpu.memory_space<vmem>>) offsets(%dma_start3A_87 : memref<128xi32, #tpu.memory_space<vmem>>) semaphore(%arg11 : memref<!tpu.dma_semaphore, #tpu.memory_space<semaphore_mem>>)
      %mul3A_90 = arith.constant 8 : i32
      %mul3A_91 = arith.muli %scan3A_10, %mul3A_90 : i32
      %add3A_92 = arith.constant 4 : i32
      %add3A_93 = arith.addi %mul3A_91, %add3A_92 : i32
      %dma_start3A_94 = arith.constant 512 : i32
      %dma_start3A_95 = arith.constant 0 : i32
      %dma_start3A_96 = tpu.memref_slice %arg8[%dma_start3A_94, %dma_start3A_95] : memref<1024x32xf32, #tpu.memory_space<vmem>> -> memref<128x32xf32, #tpu.memory_space<vmem>>
      %dma_start3A_97 = arith.constant 0 : i32
      %dma_start3A_98 = tpu.memref_slice %arg7[%add3A_93, %dma_start3A_97] : memref<104x128xi32, #tpu.memory_space<vmem>> -> memref<1x128xi32, #tpu.memory_space<vmem>>
      %dma_start3A_99 = tpu.memref_squeeze %dma_start3A_98 : memref<1x128xi32, #tpu.memory_space<vmem>> -> memref<128xi32, #tpu.memory_space<vmem>>
      %dma_start3A_100 = arith.constant 0 : i32
      %dma_start3A_101 = arith.constant 0 : i32
      %dma_start3A_102 = tpu.memref_slice %arg2[%dma_start3A_100, %dma_start3A_101] : memref<2600000x32xf32, #tpu.memory_space<hbm>> -> memref<2600000x32xf32, #tpu.memory_space<hbm>>
      tpu.enqueue_indirect_dma source(%dma_start3A_102 : memref<2600000x32xf32, #tpu.memory_space<hbm>>) target(%dma_start3A_96 : memref<128x32xf32, #tpu.memory_space<vmem>>) offsets(%dma_start3A_99 : memref<128xi32, #tpu.memory_space<vmem>>) semaphore(%arg10 : memref<!tpu.dma_semaphore, #tpu.memory_space<semaphore_mem>>)
      %dma_start3A_103 = arith.constant 512 : i32
      %dma_start3A_104 = tpu.memref_slice %arg9[%dma_start3A_103] : memref<1024xf32, #tpu.memory_space<vmem>> -> memref<128xf32, #tpu.memory_space<vmem>>
      %dma_start3A_105 = arith.constant 0 : i32
      %dma_start3A_106 = tpu.memref_slice %arg7[%add3A_93, %dma_start3A_105] : memref<104x128xi32, #tpu.memory_space<vmem>> -> memref<1x128xi32, #tpu.memory_space<vmem>>
      %dma_start3A_107 = tpu.memref_squeeze %dma_start3A_106 : memref<1x128xi32, #tpu.memory_space<vmem>> -> memref<128xi32, #tpu.memory_space<vmem>>
      %dma_start3A_108 = arith.constant 0 : i32
      %dma_start3A_109 = tpu.memref_slice %arg3[%dma_start3A_108] : memref<2600000xf32, #tpu.memory_space<hbm>> -> memref<2600000xf32, #tpu.memory_space<hbm>>
      tpu.enqueue_indirect_dma source(%dma_start3A_109 : memref<2600000xf32, #tpu.memory_space<hbm>>) target(%dma_start3A_104 : memref<128xf32, #tpu.memory_space<vmem>>) offsets(%dma_start3A_107 : memref<128xi32, #tpu.memory_space<vmem>>) semaphore(%arg11 : memref<!tpu.dma_semaphore, #tpu.memory_space<semaphore_mem>>)
      %mul3A_110 = arith.constant 8 : i32
      %mul3A_111 = arith.muli %scan3A_10, %mul3A_110 : i32
      %add3A_112 = arith.constant 5 : i32
      %add3A_113 = arith.addi %mul3A_111, %add3A_112 : i32
      %dma_start3A_114 = arith.constant 640 : i32
      %dma_start3A_115 = arith.constant 0 : i32
      %dma_start3A_116 = tpu.memref_slice %arg8[%dma_start3A_114, %dma_start3A_115] : memref<1024x32xf32, #tpu.memory_space<vmem>> -> memref<128x32xf32, #tpu.memory_space<vmem>>
      %dma_start3A_117 = arith.constant 0 : i32
      %dma_start3A_118 = tpu.memref_slice %arg7[%add3A_113, %dma_start3A_117] : memref<104x128xi32, #tpu.memory_space<vmem>> -> memref<1x128xi32, #tpu.memory_space<vmem>>
      %dma_start3A_119 = tpu.memref_squeeze %dma_start3A_118 : memref<1x128xi32, #tpu.memory_space<vmem>> -> memref<128xi32, #tpu.memory_space<vmem>>
      %dma_start3A_120 = arith.constant 0 : i32
      %dma_start3A_121 = arith.constant 0 : i32
      %dma_start3A_122 = tpu.memref_slice %arg2[%dma_start3A_120, %dma_start3A_121] : memref<2600000x32xf32, #tpu.memory_space<hbm>> -> memref<2600000x32xf32, #tpu.memory_space<hbm>>
      tpu.enqueue_indirect_dma source(%dma_start3A_122 : memref<2600000x32xf32, #tpu.memory_space<hbm>>) target(%dma_start3A_116 : memref<128x32xf32, #tpu.memory_space<vmem>>) offsets(%dma_start3A_119 : memref<128xi32, #tpu.memory_space<vmem>>) semaphore(%arg10 : memref<!tpu.dma_semaphore, #tpu.memory_space<semaphore_mem>>)
      %dma_start3A_123 = arith.constant 640 : i32
      %dma_start3A_124 = tpu.memref_slice %arg9[%dma_start3A_123] : memref<1024xf32, #tpu.memory_space<vmem>> -> memref<128xf32, #tpu.memory_space<vmem>>
      %dma_start3A_125 = arith.constant 0 : i32
      %dma_start3A_126 = tpu.memref_slice %arg7[%add3A_113, %dma_start3A_125] : memref<104x128xi32, #tpu.memory_space<vmem>> -> memref<1x128xi32, #tpu.memory_space<vmem>>
      %dma_start3A_127 = tpu.memref_squeeze %dma_start3A_126 : memref<1x128xi32, #tpu.memory_space<vmem>> -> memref<128xi32, #tpu.memory_space<vmem>>
      %dma_start3A_128 = arith.constant 0 : i32
      %dma_start3A_129 = tpu.memref_slice %arg3[%dma_start3A_128] : memref<2600000xf32, #tpu.memory_space<hbm>> -> memref<2600000xf32, #tpu.memory_space<hbm>>
      tpu.enqueue_indirect_dma source(%dma_start3A_129 : memref<2600000xf32, #tpu.memory_space<hbm>>) target(%dma_start3A_124 : memref<128xf32, #tpu.memory_space<vmem>>) offsets(%dma_start3A_127 : memref<128xi32, #tpu.memory_space<vmem>>) semaphore(%arg11 : memref<!tpu.dma_semaphore, #tpu.memory_space<semaphore_mem>>)
      %mul3A_130 = arith.constant 8 : i32
      %mul3A_131 = arith.muli %scan3A_10, %mul3A_130 : i32
      %add3A_132 = arith.constant 6 : i32
      %add3A_133 = arith.addi %mul3A_131, %add3A_132 : i32
      %dma_start3A_134 = arith.constant 768 : i32
      %dma_start3A_135 = arith.constant 0 : i32
      %dma_start3A_136 = tpu.memref_slice %arg8[%dma_start3A_134, %dma_start3A_135] : memref<1024x32xf32, #tpu.memory_space<vmem>> -> memref<128x32xf32, #tpu.memory_space<vmem>>
      %dma_start3A_137 = arith.constant 0 : i32
      %dma_start3A_138 = tpu.memref_slice %arg7[%add3A_133, %dma_start3A_137] : memref<104x128xi32, #tpu.memory_space<vmem>> -> memref<1x128xi32, #tpu.memory_space<vmem>>
      %dma_start3A_139 = tpu.memref_squeeze %dma_start3A_138 : memref<1x128xi32, #tpu.memory_space<vmem>> -> memref<128xi32, #tpu.memory_space<vmem>>
      %dma_start3A_140 = arith.constant 0 : i32
      %dma_start3A_141 = arith.constant 0 : i32
      %dma_start3A_142 = tpu.memref_slice %arg2[%dma_start3A_140, %dma_start3A_141] : memref<2600000x32xf32, #tpu.memory_space<hbm>> -> memref<2600000x32xf32, #tpu.memory_space<hbm>>
      tpu.enqueue_indirect_dma source(%dma_start3A_142 : memref<2600000x32xf32, #tpu.memory_space<hbm>>) target(%dma_start3A_136 : memref<128x32xf32, #tpu.memory_space<vmem>>) offsets(%dma_start3A_139 : memref<128xi32, #tpu.memory_space<vmem>>) semaphore(%arg10 : memref<!tpu.dma_semaphore, #tpu.memory_space<semaphore_mem>>)
      %dma_start3A_143 = arith.constant 768 : i32
      %dma_start3A_144 = tpu.memref_slice %arg9[%dma_start3A_143] : memref<1024xf32, #tpu.memory_space<vmem>> -> memref<128xf32, #tpu.memory_space<vmem>>
      %dma_start3A_145 = arith.constant 0 : i32
      %dma_start3A_146 = tpu.memref_slice %arg7[%add3A_133, %dma_start3A_145] : memref<104x128xi32, #tpu.memory_space<vmem>> -> memref<1x128xi32, #tpu.memory_space<vmem>>
      %dma_start3A_147 = tpu.memref_squeeze %dma_start3A_146 : memref<1x128xi32, #tpu.memory_space<vmem>> -> memref<128xi32, #tpu.memory_space<vmem>>
      %dma_start3A_148 = arith.constant 0 : i32
      %dma_start3A_149 = tpu.memref_slice %arg3[%dma_start3A_148] : memref<2600000xf32, #tpu.memory_space<hbm>> -> memref<2600000xf32, #tpu.memory_space<hbm>>
      tpu.enqueue_indirect_dma source(%dma_start3A_149 : memref<2600000xf32, #tpu.memory_space<hbm>>) target(%dma_start3A_144 : memref<128xf32, #tpu.memory_space<vmem>>) offsets(%dma_start3A_147 : memref<128xi32, #tpu.memory_space<vmem>>) semaphore(%arg11 : memref<!tpu.dma_semaphore, #tpu.memory_space<semaphore_mem>>)
      %mul3A_150 = arith.constant 8 : i32
      %mul3A_151 = arith.muli %scan3A_10, %mul3A_150 : i32
      %add3A_152 = arith.constant 7 : i32
      %add3A_153 = arith.addi %mul3A_151, %add3A_152 : i32
      %dma_start3A_154 = arith.constant 896 : i32
      %dma_start3A_155 = arith.constant 0 : i32
      %dma_start3A_156 = tpu.memref_slice %arg8[%dma_start3A_154, %dma_start3A_155] : memref<1024x32xf32, #tpu.memory_space<vmem>> -> memref<128x32xf32, #tpu.memory_space<vmem>>
      %dma_start3A_157 = arith.constant 0 : i32
      %dma_start3A_158 = tpu.memref_slice %arg7[%add3A_153, %dma_start3A_157] : memref<104x128xi32, #tpu.memory_space<vmem>> -> memref<1x128xi32, #tpu.memory_space<vmem>>
      %dma_start3A_159 = tpu.memref_squeeze %dma_start3A_158 : memref<1x128xi32, #tpu.memory_space<vmem>> -> memref<128xi32, #tpu.memory_space<vmem>>
      %dma_start3A_160 = arith.constant 0 : i32
      %dma_start3A_161 = arith.constant 0 : i32
      %dma_start3A_162 = tpu.memref_slice %arg2[%dma_start3A_160, %dma_start3A_161] : memref<2600000x32xf32, #tpu.memory_space<hbm>> -> memref<2600000x32xf32, #tpu.memory_space<hbm>>
      tpu.enqueue_indirect_dma source(%dma_start3A_162 : memref<2600000x32xf32, #tpu.memory_space<hbm>>) target(%dma_start3A_156 : memref<128x32xf32, #tpu.memory_space<vmem>>) offsets(%dma_start3A_159 : memref<128xi32, #tpu.memory_space<vmem>>) semaphore(%arg10 : memref<!tpu.dma_semaphore, #tpu.memory_space<semaphore_mem>>)
      %dma_start3A_163 = arith.constant 896 : i32
      %dma_start3A_164 = tpu.memref_slice %arg9[%dma_start3A_163] : memref<1024xf32, #tpu.memory_space<vmem>> -> memref<128xf32, #tpu.memory_space<vmem>>
      %dma_start3A_165 = arith.constant 0 : i32
      %dma_start3A_166 = tpu.memref_slice %arg7[%add3A_153, %dma_start3A_165] : memref<104x128xi32, #tpu.memory_space<vmem>> -> memref<1x128xi32, #tpu.memory_space<vmem>>
      %dma_start3A_167 = tpu.memref_squeeze %dma_start3A_166 : memref<1x128xi32, #tpu.memory_space<vmem>> -> memref<128xi32, #tpu.memory_space<vmem>>
      %dma_start3A_168 = arith.constant 0 : i32
      %dma_start3A_169 = tpu.memref_slice %arg3[%dma_start3A_168] : memref<2600000xf32, #tpu.memory_space<hbm>> -> memref<2600000xf32, #tpu.memory_space<hbm>>
      tpu.enqueue_indirect_dma source(%dma_start3A_169 : memref<2600000xf32, #tpu.memory_space<hbm>>) target(%dma_start3A_164 : memref<128xf32, #tpu.memory_space<vmem>>) offsets(%dma_start3A_167 : memref<128xi32, #tpu.memory_space<vmem>>) semaphore(%arg11 : memref<!tpu.dma_semaphore, #tpu.memory_space<semaphore_mem>>)
      %dma_wait3A = arith.constant 0 : i32
      %dma_wait3A_170 = arith.constant 0 : i32
      %dma_wait3A_171 = tpu.memref_slice %arg8[%dma_wait3A, %dma_wait3A_170] : memref<1024x32xf32, #tpu.memory_space<vmem>> -> memref<128x32xf32, #tpu.memory_space<vmem>>
      %dma_wait3A_172 = arith.constant 0 : i32
      %dma_wait3A_173 = tpu.memref_slice %arg7[%add3A_14, %dma_wait3A_172] : memref<104x128xi32, #tpu.memory_space<vmem>> -> memref<1x128xi32, #tpu.memory_space<vmem>>
      %dma_wait3A_174 = tpu.memref_squeeze %dma_wait3A_173 : memref<1x128xi32, #tpu.memory_space<vmem>> -> memref<128xi32, #tpu.memory_space<vmem>>
      %dma_wait3A_175 = arith.constant 0 : i32
      %dma_wait3A_176 = arith.constant 0 : i32
      %dma_wait3A_177 = tpu.memref_slice %arg2[%dma_wait3A_175, %dma_wait3A_176] : memref<2600000x32xf32, #tpu.memory_space<hbm>> -> memref<2600000x32xf32, #tpu.memory_space<hbm>>
      tpu.wait_indirect_dma semaphore(%arg10 : memref<!tpu.dma_semaphore, #tpu.memory_space<semaphore_mem>>) src(%dma_wait3A_177 : memref<2600000x32xf32, #tpu.memory_space<hbm>>) dst(%dma_wait3A_171 : memref<128x32xf32, #tpu.memory_space<vmem>>)
      %dma_wait3A_178 = arith.constant 0 : i32
      %dma_wait3A_179 = tpu.memref_slice %arg9[%dma_wait3A_178] : memref<1024xf32, #tpu.memory_space<vmem>> -> memref<128xf32, #tpu.memory_space<vmem>>
      %dma_wait3A_180 = arith.constant 0 : i32
      %dma_wait3A_181 = tpu.memref_slice %arg7[%add3A_14, %dma_wait3A_180] : memref<104x128xi32, #tpu.memory_space<vmem>> -> memref<1x128xi32, #tpu.memory_space<vmem>>
      %dma_wait3A_182 = tpu.memref_squeeze %dma_wait3A_181 : memref<1x128xi32, #tpu.memory_space<vmem>> -> memref<128xi32, #tpu.memory_space<vmem>>
      %dma_wait3A_183 = arith.constant 0 : i32
      %dma_wait3A_184 = tpu.memref_slice %arg3[%dma_wait3A_183] : memref<2600000xf32, #tpu.memory_space<hbm>> -> memref<2600000xf32, #tpu.memory_space<hbm>>
      tpu.wait_indirect_dma semaphore(%arg11 : memref<!tpu.dma_semaphore, #tpu.memory_space<semaphore_mem>>) src(%dma_wait3A_184 : memref<2600000xf32, #tpu.memory_space<hbm>>) dst(%dma_wait3A_179 : memref<128xf32, #tpu.memory_space<vmem>>)
      %dma_wait3A_185 = arith.constant 128 : i32
      %dma_wait3A_186 = arith.constant 0 : i32
      %dma_wait3A_187 = tpu.memref_slice %arg8[%dma_wait3A_185, %dma_wait3A_186] : memref<1024x32xf32, #tpu.memory_space<vmem>> -> memref<128x32xf32, #tpu.memory_space<vmem>>
      %dma_wait3A_188 = arith.constant 0 : i32
      %dma_wait3A_189 = tpu.memref_slice %arg7[%add3A_33, %dma_wait3A_188] : memref<104x128xi32, #tpu.memory_space<vmem>> -> memref<1x128xi32, #tpu.memory_space<vmem>>
      %dma_wait3A_190 = tpu.memref_squeeze %dma_wait3A_189 : memref<1x128xi32, #tpu.memory_space<vmem>> -> memref<128xi32, #tpu.memory_space<vmem>>
      %dma_wait3A_191 = arith.constant 0 : i32
      %dma_wait3A_192 = arith.constant 0 : i32
      %dma_wait3A_193 = tpu.memref_slice %arg2[%dma_wait3A_191, %dma_wait3A_192] : memref<2600000x32xf32, #tpu.memory_space<hbm>> -> memref<2600000x32xf32, #tpu.memory_space<hbm>>
      tpu.wait_indirect_dma semaphore(%arg10 : memref<!tpu.dma_semaphore, #tpu.memory_space<semaphore_mem>>) src(%dma_wait3A_193 : memref<2600000x32xf32, #tpu.memory_space<hbm>>) dst(%dma_wait3A_187 : memref<128x32xf32, #tpu.memory_space<vmem>>)
      %dma_wait3A_194 = arith.constant 128 : i32
      %dma_wait3A_195 = tpu.memref_slice %arg9[%dma_wait3A_194] : memref<1024xf32, #tpu.memory_space<vmem>> -> memref<128xf32, #tpu.memory_space<vmem>>
      %dma_wait3A_196 = arith.constant 0 : i32
      %dma_wait3A_197 = tpu.memref_slice %arg7[%add3A_33, %dma_wait3A_196] : memref<104x128xi32, #tpu.memory_space<vmem>> -> memref<1x128xi32, #tpu.memory_space<vmem>>
      %dma_wait3A_198 = tpu.memref_squeeze %dma_wait3A_197 : memref<1x128xi32, #tpu.memory_space<vmem>> -> memref<128xi32, #tpu.memory_space<vmem>>
      %dma_wait3A_199 = arith.constant 0 : i32
      %dma_wait3A_200 = tpu.memref_slice %arg3[%dma_wait3A_199] : memref<2600000xf32, #tpu.memory_space<hbm>> -> memref<2600000xf32, #tpu.memory_space<hbm>>
      tpu.wait_indirect_dma semaphore(%arg11 : memref<!tpu.dma_semaphore, #tpu.memory_space<semaphore_mem>>) src(%dma_wait3A_200 : memref<2600000xf32, #tpu.memory_space<hbm>>) dst(%dma_wait3A_195 : memref<128xf32, #tpu.memory_space<vmem>>)
      %dma_wait3A_201 = arith.constant 256 : i32
      %dma_wait3A_202 = arith.constant 0 : i32
      %dma_wait3A_203 = tpu.memref_slice %arg8[%dma_wait3A_201, %dma_wait3A_202] : memref<1024x32xf32, #tpu.memory_space<vmem>> -> memref<128x32xf32, #tpu.memory_space<vmem>>
      %dma_wait3A_204 = arith.constant 0 : i32
      %dma_wait3A_205 = tpu.memref_slice %arg7[%add3A_53, %dma_wait3A_204] : memref<104x128xi32, #tpu.memory_space<vmem>> -> memref<1x128xi32, #tpu.memory_space<vmem>>
      %dma_wait3A_206 = tpu.memref_squeeze %dma_wait3A_205 : memref<1x128xi32, #tpu.memory_space<vmem>> -> memref<128xi32, #tpu.memory_space<vmem>>
      %dma_wait3A_207 = arith.constant 0 : i32
      %dma_wait3A_208 = arith.constant 0 : i32
      %dma_wait3A_209 = tpu.memref_slice %arg2[%dma_wait3A_207, %dma_wait3A_208] : memref<2600000x32xf32, #tpu.memory_space<hbm>> -> memref<2600000x32xf32, #tpu.memory_space<hbm>>
      tpu.wait_indirect_dma semaphore(%arg10 : memref<!tpu.dma_semaphore, #tpu.memory_space<semaphore_mem>>) src(%dma_wait3A_209 : memref<2600000x32xf32, #tpu.memory_space<hbm>>) dst(%dma_wait3A_203 : memref<128x32xf32, #tpu.memory_space<vmem>>)
      %dma_wait3A_210 = arith.constant 256 : i32
      %dma_wait3A_211 = tpu.memref_slice %arg9[%dma_wait3A_210] : memref<1024xf32, #tpu.memory_space<vmem>> -> memref<128xf32, #tpu.memory_space<vmem>>
      %dma_wait3A_212 = arith.constant 0 : i32
      %dma_wait3A_213 = tpu.memref_slice %arg7[%add3A_53, %dma_wait3A_212] : memref<104x128xi32, #tpu.memory_space<vmem>> -> memref<1x128xi32, #tpu.memory_space<vmem>>
      %dma_wait3A_214 = tpu.memref_squeeze %dma_wait3A_213 : memref<1x128xi32, #tpu.memory_space<vmem>> -> memref<128xi32, #tpu.memory_space<vmem>>
      %dma_wait3A_215 = arith.constant 0 : i32
      %dma_wait3A_216 = tpu.memref_slice %arg3[%dma_wait3A_215] : memref<2600000xf32, #tpu.memory_space<hbm>> -> memref<2600000xf32, #tpu.memory_space<hbm>>
      tpu.wait_indirect_dma semaphore(%arg11 : memref<!tpu.dma_semaphore, #tpu.memory_space<semaphore_mem>>) src(%dma_wait3A_216 : memref<2600000xf32, #tpu.memory_space<hbm>>) dst(%dma_wait3A_211 : memref<128xf32, #tpu.memory_space<vmem>>)
      %dma_wait3A_217 = arith.constant 384 : i32
      %dma_wait3A_218 = arith.constant 0 : i32
      %dma_wait3A_219 = tpu.memref_slice %arg8[%dma_wait3A_217, %dma_wait3A_218] : memref<1024x32xf32, #tpu.memory_space<vmem>> -> memref<128x32xf32, #tpu.memory_space<vmem>>
      %dma_wait3A_220 = arith.constant 0 : i32
      %dma_wait3A_221 = tpu.memref_slice %arg7[%add3A_73, %dma_wait3A_220] : memref<104x128xi32, #tpu.memory_space<vmem>> -> memref<1x128xi32, #tpu.memory_space<vmem>>
      %dma_wait3A_222 = tpu.memref_squeeze %dma_wait3A_221 : memref<1x128xi32, #tpu.memory_space<vmem>> -> memref<128xi32, #tpu.memory_space<vmem>>
      %dma_wait3A_223 = arith.constant 0 : i32
      %dma_wait3A_224 = arith.constant 0 : i32
      %dma_wait3A_225 = tpu.memref_slice %arg2[%dma_wait3A_223, %dma_wait3A_224] : memref<2600000x32xf32, #tpu.memory_space<hbm>> -> memref<2600000x32xf32, #tpu.memory_space<hbm>>
      tpu.wait_indirect_dma semaphore(%arg10 : memref<!tpu.dma_semaphore, #tpu.memory_space<semaphore_mem>>) src(%dma_wait3A_225 : memref<2600000x32xf32, #tpu.memory_space<hbm>>) dst(%dma_wait3A_219 : memref<128x32xf32, #tpu.memory_space<vmem>>)
      %dma_wait3A_226 = arith.constant 384 : i32
      %dma_wait3A_227 = tpu.memref_slice %arg9[%dma_wait3A_226] : memref<1024xf32, #tpu.memory_space<vmem>> -> memref<128xf32, #tpu.memory_space<vmem>>
      %dma_wait3A_228 = arith.constant 0 : i32
      %dma_wait3A_229 = tpu.memref_slice %arg7[%add3A_73, %dma_wait3A_228] : memref<104x128xi32, #tpu.memory_space<vmem>> -> memref<1x128xi32, #tpu.memory_space<vmem>>
      %dma_wait3A_230 = tpu.memref_squeeze %dma_wait3A_229 : memref<1x128xi32, #tpu.memory_space<vmem>> -> memref<128xi32, #tpu.memory_space<vmem>>
      %dma_wait3A_231 = arith.constant 0 : i32
      %dma_wait3A_232 = tpu.memref_slice %arg3[%dma_wait3A_231] : memref<2600000xf32, #tpu.memory_space<hbm>> -> memref<2600000xf32, #tpu.memory_space<hbm>>
      tpu.wait_indirect_dma semaphore(%arg11 : memref<!tpu.dma_semaphore, #tpu.memory_space<semaphore_mem>>) src(%dma_wait3A_232 : memref<2600000xf32, #tpu.memory_space<hbm>>) dst(%dma_wait3A_227 : memref<128xf32, #tpu.memory_space<vmem>>)
      %dma_wait3A_233 = arith.constant 512 : i32
      %dma_wait3A_234 = arith.constant 0 : i32
      %dma_wait3A_235 = tpu.memref_slice %arg8[%dma_wait3A_233, %dma_wait3A_234] : memref<1024x32xf32, #tpu.memory_space<vmem>> -> memref<128x32xf32, #tpu.memory_space<vmem>>
      %dma_wait3A_236 = arith.constant 0 : i32
      %dma_wait3A_237 = tpu.memref_slice %arg7[%add3A_93, %dma_wait3A_236] : memref<104x128xi32, #tpu.memory_space<vmem>> -> memref<1x128xi32, #tpu.memory_space<vmem>>
      %dma_wait3A_238 = tpu.memref_squeeze %dma_wait3A_237 : memref<1x128xi32, #tpu.memory_space<vmem>> -> memref<128xi32, #tpu.memory_space<vmem>>
      %dma_wait3A_239 = arith.constant 0 : i32
      %dma_wait3A_240 = arith.constant 0 : i32
      %dma_wait3A_241 = tpu.memref_slice %arg2[%dma_wait3A_239, %dma_wait3A_240] : memref<2600000x32xf32, #tpu.memory_space<hbm>> -> memref<2600000x32xf32, #tpu.memory_space<hbm>>
      tpu.wait_indirect_dma semaphore(%arg10 : memref<!tpu.dma_semaphore, #tpu.memory_space<semaphore_mem>>) src(%dma_wait3A_241 : memref<2600000x32xf32, #tpu.memory_space<hbm>>) dst(%dma_wait3A_235 : memref<128x32xf32, #tpu.memory_space<vmem>>)
      %dma_wait3A_242 = arith.constant 512 : i32
      %dma_wait3A_243 = tpu.memref_slice %arg9[%dma_wait3A_242] : memref<1024xf32, #tpu.memory_space<vmem>> -> memref<128xf32, #tpu.memory_space<vmem>>
      %dma_wait3A_244 = arith.constant 0 : i32
      %dma_wait3A_245 = tpu.memref_slice %arg7[%add3A_93, %dma_wait3A_244] : memref<104x128xi32, #tpu.memory_space<vmem>> -> memref<1x128xi32, #tpu.memory_space<vmem>>
      %dma_wait3A_246 = tpu.memref_squeeze %dma_wait3A_245 : memref<1x128xi32, #tpu.memory_space<vmem>> -> memref<128xi32, #tpu.memory_space<vmem>>
      %dma_wait3A_247 = arith.constant 0 : i32
      %dma_wait3A_248 = tpu.memref_slice %arg3[%dma_wait3A_247] : memref<2600000xf32, #tpu.memory_space<hbm>> -> memref<2600000xf32, #tpu.memory_space<hbm>>
      tpu.wait_indirect_dma semaphore(%arg11 : memref<!tpu.dma_semaphore, #tpu.memory_space<semaphore_mem>>) src(%dma_wait3A_248 : memref<2600000xf32, #tpu.memory_space<hbm>>) dst(%dma_wait3A_243 : memref<128xf32, #tpu.memory_space<vmem>>)
      %dma_wait3A_249 = arith.constant 640 : i32
      %dma_wait3A_250 = arith.constant 0 : i32
      %dma_wait3A_251 = tpu.memref_slice %arg8[%dma_wait3A_249, %dma_wait3A_250] : memref<1024x32xf32, #tpu.memory_space<vmem>> -> memref<128x32xf32, #tpu.memory_space<vmem>>
      %dma_wait3A_252 = arith.constant 0 : i32
      %dma_wait3A_253 = tpu.memref_slice %arg7[%add3A_113, %dma_wait3A_252] : memref<104x128xi32, #tpu.memory_space<vmem>> -> memref<1x128xi32, #tpu.memory_space<vmem>>
      %dma_wait3A_254 = tpu.memref_squeeze %dma_wait3A_253 : memref<1x128xi32, #tpu.memory_space<vmem>> -> memref<128xi32, #tpu.memory_space<vmem>>
      %dma_wait3A_255 = arith.constant 0 : i32
      %dma_wait3A_256 = arith.constant 0 : i32
      %dma_wait3A_257 = tpu.memref_slice %arg2[%dma_wait3A_255, %dma_wait3A_256] : memref<2600000x32xf32, #tpu.memory_space<hbm>> -> memref<2600000x32xf32, #tpu.memory_space<hbm>>
      tpu.wait_indirect_dma semaphore(%arg10 : memref<!tpu.dma_semaphore, #tpu.memory_space<semaphore_mem>>) src(%dma_wait3A_257 : memref<2600000x32xf32, #tpu.memory_space<hbm>>) dst(%dma_wait3A_251 : memref<128x32xf32, #tpu.memory_space<vmem>>)
      %dma_wait3A_258 = arith.constant 640 : i32
      %dma_wait3A_259 = tpu.memref_slice %arg9[%dma_wait3A_258] : memref<1024xf32, #tpu.memory_space<vmem>> -> memref<128xf32, #tpu.memory_space<vmem>>
      %dma_wait3A_260 = arith.constant 0 : i32
      %dma_wait3A_261 = tpu.memref_slice %arg7[%add3A_113, %dma_wait3A_260] : memref<104x128xi32, #tpu.memory_space<vmem>> -> memref<1x128xi32, #tpu.memory_space<vmem>>
      %dma_wait3A_262 = tpu.memref_squeeze %dma_wait3A_261 : memref<1x128xi32, #tpu.memory_space<vmem>> -> memref<128xi32, #tpu.memory_space<vmem>>
      %dma_wait3A_263 = arith.constant 0 : i32
      %dma_wait3A_264 = tpu.memref_slice %arg3[%dma_wait3A_263] : memref<2600000xf32, #tpu.memory_space<hbm>> -> memref<2600000xf32, #tpu.memory_space<hbm>>
      tpu.wait_indirect_dma semaphore(%arg11 : memref<!tpu.dma_semaphore, #tpu.memory_space<semaphore_mem>>) src(%dma_wait3A_264 : memref<2600000xf32, #tpu.memory_space<hbm>>) dst(%dma_wait3A_259 : memref<128xf32, #tpu.memory_space<vmem>>)
      %dma_wait3A_265 = arith.constant 768 : i32
      %dma_wait3A_266 = arith.constant 0 : i32
      %dma_wait3A_267 = tpu.memref_slice %arg8[%dma_wait3A_265, %dma_wait3A_266] : memref<1024x32xf32, #tpu.memory_space<vmem>> -> memref<128x32xf32, #tpu.memory_space<vmem>>
      %dma_wait3A_268 = arith.constant 0 : i32
      %dma_wait3A_269 = tpu.memref_slice %arg7[%add3A_133, %dma_wait3A_268] : memref<104x128xi32, #tpu.memory_space<vmem>> -> memref<1x128xi32, #tpu.memory_space<vmem>>
      %dma_wait3A_270 = tpu.memref_squeeze %dma_wait3A_269 : memref<1x128xi32, #tpu.memory_space<vmem>> -> memref<128xi32, #tpu.memory_space<vmem>>
      %dma_wait3A_271 = arith.constant 0 : i32
      %dma_wait3A_272 = arith.constant 0 : i32
      %dma_wait3A_273 = tpu.memref_slice %arg2[%dma_wait3A_271, %dma_wait3A_272] : memref<2600000x32xf32, #tpu.memory_space<hbm>> -> memref<2600000x32xf32, #tpu.memory_space<hbm>>
      tpu.wait_indirect_dma semaphore(%arg10 : memref<!tpu.dma_semaphore, #tpu.memory_space<semaphore_mem>>) src(%dma_wait3A_273 : memref<2600000x32xf32, #tpu.memory_space<hbm>>) dst(%dma_wait3A_267 : memref<128x32xf32, #tpu.memory_space<vmem>>)
      %dma_wait3A_274 = arith.constant 768 : i32
      %dma_wait3A_275 = tpu.memref_slice %arg9[%dma_wait3A_274] : memref<1024xf32, #tpu.memory_space<vmem>> -> memref<128xf32, #tpu.memory_space<vmem>>
      %dma_wait3A_276 = arith.constant 0 : i32
      %dma_wait3A_277 = tpu.memref_slice %arg7[%add3A_133, %dma_wait3A_276] : memref<104x128xi32, #tpu.memory_space<vmem>> -> memref<1x128xi32, #tpu.memory_space<vmem>>
      %dma_wait3A_278 = tpu.memref_squeeze %dma_wait3A_277 : memref<1x128xi32, #tpu.memory_space<vmem>> -> memref<128xi32, #tpu.memory_space<vmem>>
      %dma_wait3A_279 = arith.constant 0 : i32
      %dma_wait3A_280 = tpu.memref_slice %arg3[%dma_wait3A_279] : memref<2600000xf32, #tpu.memory_space<hbm>> -> memref<2600000xf32, #tpu.memory_space<hbm>>
      tpu.wait_indirect_dma semaphore(%arg11 : memref<!tpu.dma_semaphore, #tpu.memory_space<semaphore_mem>>) src(%dma_wait3A_280 : memref<2600000xf32, #tpu.memory_space<hbm>>) dst(%dma_wait3A_275 : memref<128xf32, #tpu.memory_space<vmem>>)
      %dma_wait3A_281 = arith.constant 896 : i32
      %dma_wait3A_282 = arith.constant 0 : i32
      %dma_wait3A_283 = tpu.memref_slice %arg8[%dma_wait3A_281, %dma_wait3A_282] : memref<1024x32xf32, #tpu.memory_space<vmem>> -> memref<128x32xf32, #tpu.memory_space<vmem>>
      %dma_wait3A_284 = arith.constant 0 : i32
      %dma_wait3A_285 = tpu.memref_slice %arg7[%add3A_153, %dma_wait3A_284] : memref<104x128xi32, #tpu.memory_space<vmem>> -> memref<1x128xi32, #tpu.memory_space<vmem>>
      %dma_wait3A_286 = tpu.memref_squeeze %dma_wait3A_285 : memref<1x128xi32, #tpu.memory_space<vmem>> -> memref<128xi32, #tpu.memory_space<vmem>>
      %dma_wait3A_287 = arith.constant 0 : i32
      %dma_wait3A_288 = arith.constant 0 : i32
      %dma_wait3A_289 = tpu.memref_slice %arg2[%dma_wait3A_287, %dma_wait3A_288] : memref<2600000x32xf32, #tpu.memory_space<hbm>> -> memref<2600000x32xf32, #tpu.memory_space<hbm>>
      tpu.wait_indirect_dma semaphore(%arg10 : memref<!tpu.dma_semaphore, #tpu.memory_space<semaphore_mem>>) src(%dma_wait3A_289 : memref<2600000x32xf32, #tpu.memory_space<hbm>>) dst(%dma_wait3A_283 : memref<128x32xf32, #tpu.memory_space<vmem>>)
      %dma_wait3A_290 = arith.constant 896 : i32
      %dma_wait3A_291 = tpu.memref_slice %arg9[%dma_wait3A_290] : memref<1024xf32, #tpu.memory_space<vmem>> -> memref<128xf32, #tpu.memory_space<vmem>>
      %dma_wait3A_292 = arith.constant 0 : i32
      %dma_wait3A_293 = tpu.memref_slice %arg7[%add3A_153, %dma_wait3A_292] : memref<104x128xi32, #tpu.memory_space<vmem>> -> memref<1x128xi32, #tpu.memory_space<vmem>>
      %dma_wait3A_294 = tpu.memref_squeeze %dma_wait3A_293 : memref<1x128xi32, #tpu.memory_space<vmem>> -> memref<128xi32, #tpu.memory_space<vmem>>
      %dma_wait3A_295 = arith.constant 0 : i32
      %dma_wait3A_296 = tpu.memref_slice %arg3[%dma_wait3A_295] : memref<2600000xf32, #tpu.memory_space<hbm>> -> memref<2600000xf32, #tpu.memory_space<hbm>>
      tpu.wait_indirect_dma semaphore(%arg11 : memref<!tpu.dma_semaphore, #tpu.memory_space<semaphore_mem>>) src(%dma_wait3A_296 : memref<2600000xf32, #tpu.memory_space<hbm>>) dst(%dma_wait3A_291 : memref<128xf32, #tpu.memory_space<vmem>>)
      %mul3A_297 = arith.constant 1024 : i32
      %mul3A_298 = arith.muli %scan3A_10, %mul3A_297 : i32
      %add3A_299 = arith.addi %mul3A_4, %mul3A_298 : i32
      "tpu.region"() ({
        %run_scoped3A = tpu.sem_alloc : memref<!tpu.dma_semaphore, #tpu.memory_space<semaphore_mem>>
        %dma_start3A_300 = arith.constant 0 : i32
        %dma_start3A_301 = tpu.memref_slice %arg5[%add3A_299, %dma_start3A_300] : memref<425984x32xf32, #tpu.memory_space<hbm>> -> memref<1024x32xf32, #tpu.memory_space<hbm>>
        %dma_start3A_302 = arith.constant 0 : i32
        %dma_start3A_303 = tpu.memref_slice %arg5[%add3A_299, %dma_start3A_302] : memref<425984x32xf32, #tpu.memory_space<hbm>> -> memref<1024x32xf32, #tpu.memory_space<hbm>>
        tpu.enqueue_dma source(%arg8 : memref<1024x32xf32, #tpu.memory_space<vmem>>) target(%dma_start3A_303 : memref<1024x32xf32, #tpu.memory_space<hbm>>) target_semaphore(%run_scoped3A : memref<!tpu.dma_semaphore, #tpu.memory_space<semaphore_mem>>)
        %dma_wait3A_304 = arith.constant 0 : i32
        %dma_wait3A_305 = tpu.memref_slice %arg5[%add3A_299, %dma_wait3A_304] : memref<425984x32xf32, #tpu.memory_space<hbm>> -> memref<1024x32xf32, #tpu.memory_space<hbm>>
        %dma_wait3A_306 = arith.constant 0 : i32
        %dma_wait3A_307 = tpu.memref_slice %arg5[%add3A_299, %dma_wait3A_306] : memref<425984x32xf32, #tpu.memory_space<hbm>> -> memref<1024x32xf32, #tpu.memory_space<hbm>>
        tpu.wait_dma2 semaphore(%run_scoped3A : memref<!tpu.dma_semaphore, #tpu.memory_space<semaphore_mem>>) src(%arg8 : memref<1024x32xf32, #tpu.memory_space<vmem>>) dst(%dma_wait3A_307 : memref<1024x32xf32, #tpu.memory_space<hbm>>)
        tpu.yield
      }) : () -> ()
      "tpu.region"() ({
        %run_scoped3A = tpu.sem_alloc : memref<!tpu.dma_semaphore, #tpu.memory_space<semaphore_mem>>
        %dma_start3A_300 = tpu.memref_slice %arg6[%add3A_299] : memref<425984xf32, #tpu.memory_space<hbm>> -> memref<1024xf32, #tpu.memory_space<hbm>>
        %dma_start3A_301 = tpu.memref_slice %arg6[%add3A_299] : memref<425984xf32, #tpu.memory_space<hbm>> -> memref<1024xf32, #tpu.memory_space<hbm>>
        tpu.enqueue_dma source(%arg9 : memref<1024xf32, #tpu.memory_space<vmem>>) target(%dma_start3A_301 : memref<1024xf32, #tpu.memory_space<hbm>>) target_semaphore(%run_scoped3A : memref<!tpu.dma_semaphore, #tpu.memory_space<semaphore_mem>>)
        %dma_wait3A_302 = tpu.memref_slice %arg6[%add3A_299] : memref<425984xf32, #tpu.memory_space<hbm>> -> memref<1024xf32, #tpu.memory_space<hbm>>
        %dma_wait3A_303 = tpu.memref_slice %arg6[%add3A_299] : memref<425984xf32, #tpu.memory_space<hbm>> -> memref<1024xf32, #tpu.memory_space<hbm>>
        tpu.wait_dma2 semaphore(%run_scoped3A : memref<!tpu.dma_semaphore, #tpu.memory_space<semaphore_mem>>) src(%arg9 : memref<1024xf32, #tpu.memory_space<vmem>>) dst(%dma_wait3A_303 : memref<1024xf32, #tpu.memory_space<hbm>>)
        tpu.yield
      }) : () -> ()
    }
    %scan3A_9 = arith.constant 13 : i32
    return
  }
}

module attributes {stable_mosaic.version = 14 : i64} {
  func.func @_tc_body(%arg0: i32, %arg1: memref<512x832xf32, #tpu.memory_space<vmem>>, %arg2: memref<512x26xf32, #tpu.memory_space<vmem>>, %arg3: memref<512x13xf32, #tpu.memory_space<vmem>>, %arg4: memref<832x416xf32, #tpu.memory_space<vmem>>, %arg5: memref<1x416xf32, #tpu.memory_space<vmem>>, %arg6: memref<13x416xf32, #tpu.memory_space<vmem>>, %arg7: memref<1x416xf32, #tpu.memory_space<vmem>>, %arg8: memref<1x416xf32, #tpu.memory_space<vmem>>, %arg9: memref<416x208xf32, #tpu.memory_space<vmem>>, %arg10: memref<1x208xf32, #tpu.memory_space<vmem>>, %arg11: memref<624x128xf32, #tpu.memory_space<vmem>>, %arg12: memref<1x128xf32, #tpu.memory_space<vmem>>, %arg13: memref<128x64xf32, #tpu.memory_space<vmem>>, %arg14: memref<1x64xf32, #tpu.memory_space<vmem>>, %arg15: memref<64x1xf32, #tpu.memory_space<vmem>>, %arg16: memref<1x1xf32, #tpu.memory_space<vmem>>, %arg17: memref<13x1xf32, #tpu.memory_space<vmem>>, %arg18: memref<1x1xf32, #tpu.memory_space<vmem>>, %arg19: memref<624x16xf32, #tpu.memory_space<vmem>>, %arg20: memref<512x1xf32, #tpu.memory_space<vmem>>) attributes {dimension_semantics = [#tpu.dimension_semantics<arbitrary>], iteration_bounds = array<i64: 32>, scalar_prefetch = 0 : i64, scratch_operands = 0 : i64, tpu.core_type = #tpu.core_type<tc>, window_params = [{transform_indices = @transform_0, window_bounds = array<i64: 512, 832>}, {transform_indices = @transform_1, window_bounds = array<i64: 512, 26>}, {transform_indices = @transform_2, window_bounds = array<i64: 512, 13>}, {pipeline_mode = #tpu.pipeline_mode<synchronous>, transform_indices = @transform_3, window_bounds = array<i64: 832, 416>}, {pipeline_mode = #tpu.pipeline_mode<synchronous>, transform_indices = @transform_4, window_bounds = array<i64: 1, 416>}, {pipeline_mode = #tpu.pipeline_mode<synchronous>, transform_indices = @transform_5, window_bounds = array<i64: 13, 416>}, {pipeline_mode = #tpu.pipeline_mode<synchronous>, transform_indices = @transform_6, window_bounds = array<i64: 1, 416>}, {pipeline_mode = #tpu.pipeline_mode<synchronous>, transform_indices = @transform_7, window_bounds = array<i64: 1, 416>}, {pipeline_mode = #tpu.pipeline_mode<synchronous>, transform_indices = @transform_8, window_bounds = array<i64: 416, 208>}, {pipeline_mode = #tpu.pipeline_mode<synchronous>, transform_indices = @transform_9, window_bounds = array<i64: 1, 208>}, {pipeline_mode = #tpu.pipeline_mode<synchronous>, transform_indices = @transform_10, window_bounds = array<i64: 624, 128>}, {pipeline_mode = #tpu.pipeline_mode<synchronous>, transform_indices = @transform_11, window_bounds = array<i64: 1, 128>}, {pipeline_mode = #tpu.pipeline_mode<synchronous>, transform_indices = @transform_12, window_bounds = array<i64: 128, 64>}, {pipeline_mode = #tpu.pipeline_mode<synchronous>, transform_indices = @transform_13, window_bounds = array<i64: 1, 64>}, {pipeline_mode = #tpu.pipeline_mode<synchronous>, transform_indices = @transform_14, window_bounds = array<i64: 64, 1>}, {pipeline_mode = #tpu.pipeline_mode<synchronous>, transform_indices = @transform_15, window_bounds = array<i64: 1, 1>}, {pipeline_mode = #tpu.pipeline_mode<synchronous>, transform_indices = @transform_16, window_bounds = array<i64: 13, 1>}, {pipeline_mode = #tpu.pipeline_mode<synchronous>, transform_indices = @transform_17, window_bounds = array<i64: 1, 1>}, {pipeline_mode = #tpu.pipeline_mode<synchronous>, transform_indices = @transform_18, window_bounds = array<i64: 624, 16>}, {transform_indices = @transform_19, window_bounds = array<i64: 512, 1>}]} {
    %get3A = arith.constant 0 : index
    %get3A_0 = arith.constant 0 : index
    %get3A_1 = vector.load %arg1[%get3A, %get3A_0] : memref<512x832xf32, #tpu.memory_space<vmem>>, vector<512x832xf32>
    %max3A = arith.constant 0.000000e+00 : f32
    %max3A_2 = vector.broadcast %max3A : f32 to vector<512x832xf32>
    %max3A_3 = arith.maximumf %get3A_1, %max3A_2 : vector<512x832xf32>
    %get3A_4 = arith.constant 0 : index
    %get3A_5 = arith.constant 0 : index
    %get3A_6 = vector.load %arg4[%get3A_4, %get3A_5] : memref<832x416xf32, #tpu.memory_space<vmem>>, vector<832x416xf32>
    %dot_general3A = arith.constant dense<0.000000e+00> : vector<512x416xf32>
    %dot_general3A_7 = tpu.matmul %max3A_3, %get3A_6, %dot_general3A {dimension_numbers = #tpu.dot_dimension_numbers<[1], [0], [0], [1], [0, 0, 1, 1], [], []>, transpose_lhs_hint = false} : vector<512x832xf32>, vector<832x416xf32>, vector<512x416xf32> -> vector<512x416xf32>
    %get3A_8 = arith.constant 0 : index
    %get3A_9 = arith.constant 0 : index
    %get3A_10 = vector.load %arg5[%get3A_8, %get3A_9] : memref<1x416xf32, #tpu.memory_space<vmem>>, vector<1x416xf32>
    %add3A = vector.broadcast %get3A_10 : vector<1x416xf32> to vector<512x416xf32>
    %add3A_11 = arith.addf %dot_general3A_7, %add3A : vector<512x416xf32>
    %get3A_12 = arith.constant 0 : index
    %get3A_13 = arith.constant 0 : index
    %get3A_14 = vector.load %arg3[%get3A_12, %get3A_13] : memref<512x13xf32, #tpu.memory_space<vmem>>, vector<512x13xf32>
    %get3A_15 = arith.constant 0 : index
    %get3A_16 = arith.constant 0 : index
    %get3A_17 = vector.load %arg6[%get3A_15, %get3A_16] : memref<13x416xf32, #tpu.memory_space<vmem>>, vector<13x416xf32>
    %dot_general3A_18 = arith.constant dense<0.000000e+00> : vector<512x416xf32>
    %dot_general3A_19 = tpu.matmul %get3A_14, %get3A_17, %dot_general3A_18 {dimension_numbers = #tpu.dot_dimension_numbers<[1], [0], [0], [1], [0, 0, 1, 1], [], []>, transpose_lhs_hint = false} : vector<512x13xf32>, vector<13x416xf32>, vector<512x416xf32> -> vector<512x416xf32>
    %get3A_20 = arith.constant 0 : index
    %get3A_21 = arith.constant 0 : index
    %get3A_22 = vector.load %arg7[%get3A_20, %get3A_21] : memref<1x416xf32, #tpu.memory_space<vmem>>, vector<1x416xf32>
    %mul3A = vector.broadcast %get3A_22 : vector<1x416xf32> to vector<512x416xf32>
    %mul3A_23 = arith.mulf %dot_general3A_19, %mul3A : vector<512x416xf32>
    %get3A_24 = arith.constant 0 : index
    %get3A_25 = arith.constant 0 : index
    %get3A_26 = vector.load %arg8[%get3A_24, %get3A_25] : memref<1x416xf32, #tpu.memory_space<vmem>>, vector<1x416xf32>
    %add3A_27 = vector.broadcast %get3A_26 : vector<1x416xf32> to vector<512x416xf32>
    %add3A_28 = arith.addf %mul3A_23, %add3A_27 : vector<512x416xf32>
    %max3A_29 = arith.constant 0.000000e+00 : f32
    %max3A_30 = vector.broadcast %max3A_29 : f32 to vector<512x416xf32>
    %max3A_31 = arith.maximumf %add3A_28, %max3A_30 : vector<512x416xf32>
    %get3A_32 = arith.constant 0 : index
    %get3A_33 = arith.constant 0 : index
    %get3A_34 = vector.load %arg9[%get3A_32, %get3A_33] : memref<416x208xf32, #tpu.memory_space<vmem>>, vector<416x208xf32>
    %dot_general3A_35 = arith.constant dense<0.000000e+00> : vector<512x208xf32>
    %dot_general3A_36 = tpu.matmul %max3A_31, %get3A_34, %dot_general3A_35 {dimension_numbers = #tpu.dot_dimension_numbers<[1], [0], [0], [1], [0, 0, 1, 1], [], []>, transpose_lhs_hint = false} : vector<512x416xf32>, vector<416x208xf32>, vector<512x208xf32> -> vector<512x208xf32>
    %get3A_37 = arith.constant 0 : index
    %get3A_38 = arith.constant 0 : index
    %get3A_39 = vector.load %arg10[%get3A_37, %get3A_38] : memref<1x208xf32, #tpu.memory_space<vmem>>, vector<1x208xf32>
    %add3A_40 = vector.broadcast %get3A_39 : vector<1x208xf32> to vector<512x208xf32>
    %add3A_41 = arith.addf %dot_general3A_36, %add3A_40 : vector<512x208xf32>
    %concatenate3A = tpu.concatenate %add3A_11, %add3A_41 in 1 : vector<512x416xf32>, vector<512x208xf32> -> vector<512x624xf32>
    %get3A_42 = arith.constant 0 : index
    %get3A_43 = arith.constant 0 : index
    %get3A_44 = vector.load %arg11[%get3A_42, %get3A_43] : memref<624x128xf32, #tpu.memory_space<vmem>>, vector<624x128xf32>
    %dot_general3A_45 = arith.constant dense<0.000000e+00> : vector<512x128xf32>
    %dot_general3A_46 = tpu.matmul %concatenate3A, %get3A_44, %dot_general3A_45 {dimension_numbers = #tpu.dot_dimension_numbers<[1], [0], [0], [1], [0, 0, 1, 1], [], []>, transpose_lhs_hint = false} : vector<512x624xf32>, vector<624x128xf32>, vector<512x128xf32> -> vector<512x128xf32>
    %get3A_47 = arith.constant 0 : index
    %get3A_48 = arith.constant 0 : index
    %get3A_49 = vector.load %arg12[%get3A_47, %get3A_48] : memref<1x128xf32, #tpu.memory_space<vmem>>, vector<1x128xf32>
    %add3A_50 = vector.broadcast %get3A_49 : vector<1x128xf32> to vector<512x128xf32>
    %add3A_51 = arith.addf %dot_general3A_46, %add3A_50 : vector<512x128xf32>
    %max3A_52 = arith.constant 0.000000e+00 : f32
    %max3A_53 = vector.broadcast %max3A_52 : f32 to vector<512x128xf32>
    %max3A_54 = arith.maximumf %add3A_51, %max3A_53 : vector<512x128xf32>
    %get3A_55 = arith.constant 0 : index
    %get3A_56 = arith.constant 0 : index
    %get3A_57 = vector.load %arg13[%get3A_55, %get3A_56] : memref<128x64xf32, #tpu.memory_space<vmem>>, vector<128x64xf32>
    %dot_general3A_58 = arith.constant dense<0.000000e+00> : vector<512x64xf32>
    %dot_general3A_59 = tpu.matmul %max3A_54, %get3A_57, %dot_general3A_58 {dimension_numbers = #tpu.dot_dimension_numbers<[1], [0], [0], [1], [0, 0, 1, 1], [], []>, transpose_lhs_hint = false} : vector<512x128xf32>, vector<128x64xf32>, vector<512x64xf32> -> vector<512x64xf32>
    %get3A_60 = arith.constant 0 : index
    %get3A_61 = arith.constant 0 : index
    %get3A_62 = vector.load %arg14[%get3A_60, %get3A_61] : memref<1x64xf32, #tpu.memory_space<vmem>>, vector<1x64xf32>
    %add3A_63 = vector.broadcast %get3A_62 : vector<1x64xf32> to vector<512x64xf32>
    %add3A_64 = arith.addf %dot_general3A_59, %add3A_63 : vector<512x64xf32>
    %max3A_65 = arith.constant 0.000000e+00 : f32
    %max3A_66 = vector.broadcast %max3A_65 : f32 to vector<512x64xf32>
    %max3A_67 = arith.maximumf %add3A_64, %max3A_66 : vector<512x64xf32>
    %get3A_68 = arith.constant 0 : index
    %get3A_69 = arith.constant 0 : index
    %get3A_70 = vector.load %arg15[%get3A_68, %get3A_69] : memref<64x1xf32, #tpu.memory_space<vmem>>, vector<64x1xf32>
    %dot_general3A_71 = arith.constant dense<0.000000e+00> : vector<512x1xf32>
    %dot_general3A_72 = tpu.matmul %max3A_67, %get3A_70, %dot_general3A_71 {dimension_numbers = #tpu.dot_dimension_numbers<[1], [0], [0], [1], [0, 0, 1, 1], [], []>, transpose_lhs_hint = false} : vector<512x64xf32>, vector<64x1xf32>, vector<512x1xf32> -> vector<512x1xf32>
    %get3A_73 = arith.constant 0 : index
    %get3A_74 = arith.constant 0 : index
    %get3A_75 = vector.load %arg16[%get3A_73, %get3A_74] : memref<1x1xf32, #tpu.memory_space<vmem>>, vector<1x1xf32>
    %add3A_76 = vector.broadcast %get3A_75 : vector<1x1xf32> to vector<512x1xf32>
    %add3A_77 = arith.addf %dot_general3A_72, %add3A_76 : vector<512x1xf32>
    %get3A_78 = arith.constant 0 : index
    %get3A_79 = arith.constant 0 : index
    %get3A_80 = vector.load %arg19[%get3A_78, %get3A_79] : memref<624x16xf32, #tpu.memory_space<vmem>>, vector<624x16xf32>
    %dot_general3A_81 = arith.constant dense<0.000000e+00> : vector<512x16xf32>
    %dot_general3A_82 = tpu.matmul %concatenate3A, %get3A_80, %dot_general3A_81 {dimension_numbers = #tpu.dot_dimension_numbers<[1], [0], [0], [1], [0, 0, 1, 1], [], []>, transpose_lhs_hint = false} : vector<512x624xf32>, vector<624x16xf32>, vector<512x16xf32> -> vector<512x16xf32>
    %mul3A_83 = arith.mulf %concatenate3A, %concatenate3A : vector<512x624xf32>
    %get3A_84 = arith.constant 0 : index
    %get3A_85 = arith.constant 0 : index
    %get3A_86 = vector.load %arg19[%get3A_84, %get3A_85] : memref<624x16xf32, #tpu.memory_space<vmem>>, vector<624x16xf32>
    %dot_general3A_87 = arith.constant dense<0.000000e+00> : vector<512x16xf32>
    %dot_general3A_88 = tpu.matmul %mul3A_83, %get3A_86, %dot_general3A_87 {dimension_numbers = #tpu.dot_dimension_numbers<[1], [0], [0], [1], [0, 0, 1, 1], [], []>, transpose_lhs_hint = false} : vector<512x624xf32>, vector<624x16xf32>, vector<512x16xf32> -> vector<512x16xf32>
    %mul3A_89 = arith.mulf %dot_general3A_82, %dot_general3A_82 : vector<512x16xf32>
    %sub3A = arith.subf %mul3A_89, %dot_general3A_88 : vector<512x16xf32>
    %reduce_sum3A = arith.constant dense<0.000000e+00> : vector<512xf32>
    %reduce_sum3A_90 = vector.multi_reduction <add>, %sub3A, %reduce_sum3A [1] : vector<512x16xf32> to vector<512xf32>
    %broadcast_in_dim3A = vector.shape_cast %reduce_sum3A_90 : vector<512xf32> to vector<512x1xf32>
    %mul3A_91 = arith.constant 5.000000e-01 : f32
    %mul3A_92 = vector.broadcast %mul3A_91 : f32 to vector<512x1xf32>
    %mul3A_93 = arith.mulf %mul3A_92, %broadcast_in_dim3A : vector<512x1xf32>
    %get3A_94 = arith.constant 0 : index
    %get3A_95 = arith.constant 0 : index
    %get3A_96 = vector.load %arg2[%get3A_94, %get3A_95] : memref<512x26xf32, #tpu.memory_space<vmem>>, vector<512x26xf32>
    %reduce_sum3A_97 = arith.constant dense<0.000000e+00> : vector<512xf32>
    %reduce_sum3A_98 = vector.multi_reduction <add>, %get3A_96, %reduce_sum3A_97 [1] : vector<512x26xf32> to vector<512xf32>
    %broadcast_in_dim3A_99 = vector.shape_cast %reduce_sum3A_98 : vector<512xf32> to vector<512x1xf32>
    %get3A_100 = arith.constant 0 : index
    %get3A_101 = arith.constant 0 : index
    %get3A_102 = vector.load %arg17[%get3A_100, %get3A_101] : memref<13x1xf32, #tpu.memory_space<vmem>>, vector<13x1xf32>
    %dot_general3A_103 = arith.constant dense<0.000000e+00> : vector<512x1xf32>
    %dot_general3A_104 = tpu.matmul %get3A_14, %get3A_102, %dot_general3A_103 {dimension_numbers = #tpu.dot_dimension_numbers<[1], [0], [0], [1], [0, 0, 1, 1], [], []>, transpose_lhs_hint = false} : vector<512x13xf32>, vector<13x1xf32>, vector<512x1xf32> -> vector<512x1xf32>
    %add3A_105 = arith.addf %broadcast_in_dim3A_99, %dot_general3A_104 : vector<512x1xf32>
    %get3A_106 = arith.constant 0 : index
    %get3A_107 = arith.constant 0 : index
    %get3A_108 = vector.load %arg18[%get3A_106, %get3A_107] : memref<1x1xf32, #tpu.memory_space<vmem>>, vector<1x1xf32>
    %add3A_109 = vector.broadcast %get3A_108 : vector<1x1xf32> to vector<512x1xf32>
    %add3A_110 = arith.addf %add3A_105, %add3A_109 : vector<512x1xf32>
    %add3A_111 = arith.addf %add3A_110, %mul3A_93 : vector<512x1xf32>
    %mul3A_112 = arith.constant 5.000000e-01 : f32
    %mul3A_113 = vector.broadcast %mul3A_112 : f32 to vector<512x1xf32>
    %mul3A_114 = arith.mulf %mul3A_113, %add3A_77 : vector<512x1xf32>
    %add3A_115 = arith.addf %add3A_111, %mul3A_114 : vector<512x1xf32>
    %swap3A = arith.constant 0 : index
    %swap3A_116 = arith.constant 0 : index
    %swap3A_117 = vector.load %arg20[%swap3A, %swap3A_116] : memref<512x1xf32, #tpu.memory_space<vmem>>, vector<512x1xf32>
    tpu.vector_store %arg20[%swap3A, %swap3A_116], %add3A_115 {strides = array<i32>} : memref<512x1xf32, #tpu.memory_space<vmem>>, vector<512x1xf32>,
    return
  }
  func.func @transform_0(%arg0: i32) -> (i32, i32) {
    %c0_i32 = arith.constant 0 : i32
    %c0_i32_0 = arith.constant 0 : i32
    return %arg0, %c0_i32 : i32, i32
  }
  func.func @transform_1(%arg0: i32) -> (i32, i32) {
    %c0_i32 = arith.constant 0 : i32
    %c0_i32_0 = arith.constant 0 : i32
    return %arg0, %c0_i32 : i32, i32
  }
  func.func @transform_2(%arg0: i32) -> (i32, i32) {
    %c0_i32 = arith.constant 0 : i32
    %c0_i32_0 = arith.constant 0 : i32
    return %arg0, %c0_i32 : i32, i32
  }
  func.func @transform_3(%arg0: i32) -> (i32, i32) {
    %c0_i32 = arith.constant 0 : i32
    %c0_i32_0 = arith.constant 0 : i32
    %c0_i32_1 = arith.constant 0 : i32
    return %c0_i32, %c0_i32_0 : i32, i32
  }
  func.func @transform_4(%arg0: i32) -> (i32, i32) {
    %c0_i32 = arith.constant 0 : i32
    %c0_i32_0 = arith.constant 0 : i32
    %c0_i32_1 = arith.constant 0 : i32
    return %c0_i32, %c0_i32_0 : i32, i32
  }
  func.func @transform_5(%arg0: i32) -> (i32, i32) {
    %c0_i32 = arith.constant 0 : i32
    %c0_i32_0 = arith.constant 0 : i32
    %c0_i32_1 = arith.constant 0 : i32
    return %c0_i32, %c0_i32_0 : i32, i32
  }
  func.func @transform_6(%arg0: i32) -> (i32, i32) {
    %c0_i32 = arith.constant 0 : i32
    %c0_i32_0 = arith.constant 0 : i32
    %c0_i32_1 = arith.constant 0 : i32
    return %c0_i32, %c0_i32_0 : i32, i32
  }
  func.func @transform_7(%arg0: i32) -> (i32, i32) {
    %c0_i32 = arith.constant 0 : i32
    %c0_i32_0 = arith.constant 0 : i32
    %c0_i32_1 = arith.constant 0 : i32
    return %c0_i32, %c0_i32_0 : i32, i32
  }
  func.func @transform_8(%arg0: i32) -> (i32, i32) {
    %c0_i32 = arith.constant 0 : i32
    %c0_i32_0 = arith.constant 0 : i32
    %c0_i32_1 = arith.constant 0 : i32
    return %c0_i32, %c0_i32_0 : i32, i32
  }
  func.func @transform_9(%arg0: i32) -> (i32, i32) {
    %c0_i32 = arith.constant 0 : i32
    %c0_i32_0 = arith.constant 0 : i32
    %c0_i32_1 = arith.constant 0 : i32
    return %c0_i32, %c0_i32_0 : i32, i32
  }
  func.func @transform_10(%arg0: i32) -> (i32, i32) {
    %c0_i32 = arith.constant 0 : i32
    %c0_i32_0 = arith.constant 0 : i32
    %c0_i32_1 = arith.constant 0 : i32
    return %c0_i32, %c0_i32_0 : i32, i32
  }
  func.func @transform_11(%arg0: i32) -> (i32, i32) {
    %c0_i32 = arith.constant 0 : i32
    %c0_i32_0 = arith.constant 0 : i32
    %c0_i32_1 = arith.constant 0 : i32
    return %c0_i32, %c0_i32_0 : i32, i32
  }
  func.func @transform_12(%arg0: i32) -> (i32, i32) {
    %c0_i32 = arith.constant 0 : i32
    %c0_i32_0 = arith.constant 0 : i32
    %c0_i32_1 = arith.constant 0 : i32
    return %c0_i32, %c0_i32_0 : i32, i32
  }
  func.func @transform_13(%arg0: i32) -> (i32, i32) {
    %c0_i32 = arith.constant 0 : i32
    %c0_i32_0 = arith.constant 0 : i32
    %c0_i32_1 = arith.constant 0 : i32
    return %c0_i32, %c0_i32_0 : i32, i32
  }
  func.func @transform_14(%arg0: i32) -> (i32, i32) {
    %c0_i32 = arith.constant 0 : i32
    %c0_i32_0 = arith.constant 0 : i32
    %c0_i32_1 = arith.constant 0 : i32
    return %c0_i32, %c0_i32_0 : i32, i32
  }
  func.func @transform_15(%arg0: i32) -> (i32, i32) {
    %c0_i32 = arith.constant 0 : i32
    %c0_i32_0 = arith.constant 0 : i32
    %c0_i32_1 = arith.constant 0 : i32
    return %c0_i32, %c0_i32_0 : i32, i32
  }
  func.func @transform_16(%arg0: i32) -> (i32, i32) {
    %c0_i32 = arith.constant 0 : i32
    %c0_i32_0 = arith.constant 0 : i32
    %c0_i32_1 = arith.constant 0 : i32
    return %c0_i32, %c0_i32_0 : i32, i32
  }
  func.func @transform_17(%arg0: i32) -> (i32, i32) {
    %c0_i32 = arith.constant 0 : i32
    %c0_i32_0 = arith.constant 0 : i32
    %c0_i32_1 = arith.constant 0 : i32
    return %c0_i32, %c0_i32_0 : i32, i32
  }
  func.func @transform_18(%arg0: i32) -> (i32, i32) {
    %c0_i32 = arith.constant 0 : i32
    %c0_i32_0 = arith.constant 0 : i32
    %c0_i32_1 = arith.constant 0 : i32
    return %c0_i32, %c0_i32_0 : i32, i32
  }
  func.func @transform_19(%arg0: i32) -> (i32, i32) {
    %c0_i32 = arith.constant 0 : i32
    %c0_i32_0 = arith.constant 0 : i32
    return %arg0, %c0_i32 : i32, i32
  }
}

</mosaic_0001>

<sc_bundles>
// kernel: kernel.4.cloned.1.call-start
scs
__scs_entry_jumppad:
0x0: {  	(pc) =	sbr.rel $0x88, $3  }
0x1: {  	(tag) =	ssettag $0x0;
	lr =	simm.s32 $0x1  }
0x2: {  	[smem:$0x3F8F] =	sst lr;
	_ =	strace $0xD0000000  }
0x3: {  	_ = 	snop  }
0x4: {  	_ = 	snop  }
0x5: {  	_ = 	snop  }
0x6: {  	_ = 	snop  }
0x7: {  	_ = 	snop  }
__scs_overlays_trampoline_lowered:
0x8: {  	[smem:$0x3F9E] =	sst s0  }
0x9: {  	[smem:$0x3F9F] =	sst s1  }
0xa: {  	[smem:$0x3FA0] =	sst s2  }
0xb: {  	[smem:$0x3FA1] =	sst s3  }
0xc: {  	[smem:$0x3FA2] =	sst s4  }
0xd: {  	[smem:$0x3FA3] =	sst s5  }
0xe: {  	[smem:$0x3FA4] =	sst s6  }
0xf: {  	[smem:$0x3FA5] =	sst s7  }
0x10: {  	[smem:$0x3FA6] =	sst s8  }
0x11: {  	[smem:$0x3FA7] =	sst s9;
	s0 =	simm.s32 @!p0 $0x0  }
0x12: {  	s1 =	sld [smem:$0x3F8D];
	s0 =	simm.s32 @p0 $0x1  }
0x13: {  	[smem:$0x3FA8] =	sst s0;
	s0 =	simm.s32 @!p1 $0x0  }
0x14: {  	s2 =	sld [smem:$0x3F8C];
	s0 =	simm.s32 @p1 $0x1  }
0x15: {  	[smem:$0x3FA9] =	sst s0;
	s0 =	simm.s32 @!p2 $0x0  }
0x16: {  	s3 =	sld [smem:$0x3FDB];
	s0 =	simm.s32 @p2 $0x1  }
0x17: {  	s4 =	simm.s32 $0x1BF5;
	[smem:$0x3FAB] =	sst s0  }
0x18: {  	s0 =	sld [smem:$0x3F8E];
	_ =	swait.ge [sflag:s4], $0x0  }
0x19: {  	s7 =	sld [smem:$0x3F8F]  }
0x1a: {  	s8 =	sadd.s32 $0xFFFFE003, lr  }
0x1b: {  	s9 =	sadd.s32 $0xFFFFFEF7, lr;
	s5 =	simm.s32 $0xFFFFFFFF;
	p2 =	slt.u32 s8, $0xFFFFF086  }
0x1c: {  	p1 =	slt.u32 s9, $0xF7A;
	s5 =	simm.s32 @!p2 $0x0  }
0x1d: {  	s5 =	simm.s32 @p1 $0x1;
	p0 =	seq.s32 s7, s2  }
0x1e: {  	s7 =	smul.u32 @!p0 $0xF7A, s2;
	p2 =	seq.s32 @!p0 s5, $0x0  }
0x1f: {  	s9 =	smul.u32 $0xF7A, s1;
	s8 =	simm.s32 @!p0 $0x1BF5;
	p2 =	por !p2, p0  }
0x20: {  	[sflag:s8] =	ssyncset.s32 @!p0 $0xFFFFF086;
	s6 =	sadd.s32 @!p0 s3, s7;
	s7 =	simm.s32 @!p0 $0x108  }
0x21: {  	s3 =	sadd.s32 s3, s9;
	s6 =	sadd.s32 @!p0 $0x88, s6;
	s7 =	simm.s32 @p2 $0x1082  }
0x22: {  	[simem:s7], [sflag:s8] =	dma.local @!p0 [hbm:s6], $0xF7A  }
0x23: {  	s9 =	sor.u32 $0xD0000000, s2;
	s6 =	simm.s32 $0x108;
	_ =	swait.ge @!p0 [sflag:s8], $0x0  }
0x24: {  	s3 =	sadd.s32 $0x88, s3;
	s6 =	simm.s32 @!p1 $0x1082;
	[sflag:s4] =	ssyncset.s32 $0xFFFFF086  }
0x25: {  	[simem:s6], [sflag:s4] =	dma.local [hbm:s3], $0xF7A  }
0x26: {  	[smem:$0x3F8F] =	sst s1;
	(tag) =	ssettag s2;
	_ =	strace s9  }
0x27: {  	s1 =	sld [smem:$0x3F9F]  }
0x28: {  	s2 =	sld [smem:$0x3FA0]  }
0x29: {  	s4 =	sld [smem:$0x3FA2]  }
0x2a: {  	p0 =	seq.s32 s5, $0x0;
	s5 =	sld [smem:$0x3FA3]  }
0x2b: {  	s6 =	sld [smem:$0x3FA4]  }
0x2c: {  	s7 =	sld [smem:$0x3FA5]  }
0x2d: {  	s3 =	simm.s32 $0x108;
	s8 =	sld [smem:$0x3FA6]  }
0x2e: {  	s3 =	simm.s32 @!p0 $0x1082;
	s9 =	sld [smem:$0x3FA7]  }
0x2f: {  	lr =	sadd.s32 s0, s3;
	s0 =	sld [smem:$0x3F9E]  }
0x30: {  	s3 =	sld [smem:$0x3FA1]  }
0x31: {  	[smem:$0x3FAA] =	sst s10  }
0x32: {  	s10 =	sld [smem:$0x3FA8];
	_ =	sdelay $0x3  }
0x33: {  	p0 =	seq.s32 s10, $0x1;
	s10 =	sld [smem:$0x3FAA];
	_ =	sdelay $0x3  }
0x34: {  	[smem:$0x3FAA] =	sst s10  }
0x35: {  	s10 =	sld [smem:$0x3FA9];
	_ =	sdelay $0x3  }
0x36: {  	p1 =	seq.s32 s10, $0x1;
	s10 =	sld [smem:$0x3FAA];
	_ =	sdelay $0x3  }
0x37: {  	[smem:$0x3FAA] =	sst s10  }
0x38: {  	s10 =	sld [smem:$0x3FAB]  }
0x39: {  	_ = 	snop;
	(pc) =	sbr.ind lr, $3  }
0x3a: {  	_ = 	snop  }
0x3b: {  	_ = 	snop  }
0x3c: {  	p2 =	seq.s32 s10, $0x1;
	s10 =	sld [smem:$0x3FAA]  }
0x3d: {  	_ =	shalt  }
0x3e: {  	_ =	shalt  }
0x3f: {  	_ =	shalt  }
0x40: {  	_ =	shalt  }
0x41: {  	_ =	shalt  }
0x42: {  	_ =	shalt  }
0x43: {  	_ =	shalt  }
0x44: {  	_ =	shalt  }
0x45: {  	_ =	shalt  }
0x46: {  	_ =	shalt  }
0x47: {  	_ =	shalt  }
0x48: {  	_ =	shalt  }
0x49: {  	_ =	shalt  }
0x4a: {  	_ =	shalt  }
0x4b: {  	_ =	shalt  }
0x4c: {  	_ =	shalt  }
0x4d: {  	_ =	shalt  }
0x4e: {  	_ =	shalt  }
0x4f: {  	_ =	shalt  }
0x50: {  	_ =	shalt  }
0x51: {  	_ =	shalt  }
0x52: {  	_ =	shalt  }
0x53: {  	_ =	shalt  }
0x54: {  	_ =	shalt  }
0x55: {  	_ =	shalt  }
0x56: {  	_ =	shalt  }
0x57: {  	_ =	shalt  }
0x58: {  	_ =	shalt  }
0x59: {  	_ =	shalt  }
0x5a: {  	_ =	shalt  }
0x5b: {  	_ =	shalt  }
0x5c: {  	_ =	shalt  }
0x5d: {  	_ =	shalt  }
0x5e: {  	_ =	shalt  }
0x5f: {  	_ =	shalt  }
0x60: {  	_ =	shalt  }
0x61: {  	_ =	shalt  }
0x62: {  	_ =	shalt  }
0x63: {  	_ =	shalt  }
0x64: {  	_ =	shalt  }
0x65: {  	_ =	shalt  }
0x66: {  	_ =	shalt  }
0x67: {  	_ =	shalt  }
0x68: {  	_ =	shalt  }
0x69: {  	_ =	shalt  }
0x6a: {  	_ =	shalt  }
0x6b: {  	_ =	shalt  }
0x6c: {  	_ =	shalt  }
0x6d: {  	_ =	shalt  }
0x6e: {  	_ =	shalt  }
0x6f: {  	_ =	shalt  }
0x70: {  	_ =	shalt  }
0x71: {  	_ =	shalt  }
0x72: {  	_ =	shalt  }
0x73: {  	_ =	shalt  }
0x74: {  	_ =	shalt  }
0x75: {  	_ =	shalt  }
0x76: {  	_ =	shalt  }
0x77: {  	_ =	shalt  }
0x78: {  	_ =	shalt  }
0x79: {  	_ =	shalt  }
0x7a: {  	_ =	shalt  }
0x7b: {  	_ =	shalt  }
0x7c: {  	_ =	shalt  }
0x7d: {  	_ =	shalt  }
0x7e: {  	_ =	shalt  }
0x7f: {  	_ =	shalt  }
0x80: {  	_ =	shalt  }
0x81: {  	_ =	shalt  }
0x82: {  	_ =	shalt  }
0x83: {  	_ =	shalt  }
0x84: {  	_ =	shalt  }
0x85: {  	_ =	shalt  }
0x86: {  	_ =	shalt  }
0x87: {  	_ =	shalt  }
.Lfunc_end0:
.L_simem_size_0:
called_computation_lowered:
.L_overlay_start_0:
0x88: {  	s2 =	sld [smem:$0x3FD9]  }
0x89: {  	s3 =	sld [smem:$0x3FFE];
	_ =	sdelay $0x1  }
0x8a: {  	s1 =	srdreg.scid  }
0x8b: {  	s0 =	sand.u32 $0x1, s1  }
0x8c: {  	s16 =	sshll.u32 s0, $0xA;
	s2 =	sadd.s32 s3, s2  }
0x8d: {  	s2 =	sadd.s32 s2, s16  }
0x8e: {  	[smem:$0x3FB6] =	sst s2  }
0x8f: {  	_ = 	snop  }
0x90: {  	(tm) =	ssettm $0x1  }
0x91: {  	s17 =	sld [smem:$0x3FFB];
	_ =	sdelay $0x3  }
0x92: {  	_ =	strace s17  }
0x93: {  	s2 =	sld [smem:$0x3FFC];
	_ =	sdelay $0x3  }
0x94: {  	_ =	strace s2  }
0x95: {  	s2 =	sld [smem:$0x3FFD];
	_ =	sdelay $0x3  }
0x96: {  	_ =	strace s2  }
0x97: {  	_ =	strace $0x8FFFFFFF  }
0x98: {  	s18 =	sld [smem:$0x3FDB];
	_ =	sdelay $0x1  }
0x99: {  	s19 =	simm.s32 $_scs_section_size  }
0x9a: {  	s4 =	simm.s32 $_size__tile_overlayer_lowered;
	s5 =	simm.s32 $_tile_overlayer_lowered  }
0x9b: {  	s22 =	simm.s32 $0x1BFF;
	s21 =	sshll.u32 s5, $0x1;
	s2 =	sadd.s32 s19, s18  }
0x9c: {  	s6 =	simm.s32 $0x0;
	s20 =	sshll.u32 s4, $0x1;
	s4 =	sadd.s32 s21, s2  }
0x9d: {  	[timem:s6], [sflag:s22] =	dma.local [hbm:s4], s20  }
0x9e: {  	_ =	swait.ge [sflag:s22], s20  }
0x9f: {  	s3 =	ssub.s32 $0x0, s20;
	[sflag:s22] =	ssyncset.done $0x0  }
0xa0: {  	[sflag:s22] =	ssyncadd.s32 s3;
	_ =	sdelay $0x1  }
0xa1: {  	s23 =	simm.s32 $0x1B8B  }
0xa2: {  	_ =	swait.ge [sflag:s23], $0x1  }
0xa3: {  	[sflag:s23] =	ssyncset.done $0x0  }
0xa4: {  	s25 =	simm.s32 $0x1B8E;
	s24 =	sld [smem:$0x3FFE];
	[sflag:s23] =	ssyncadd.s32 $0xFFFFFFFF  }
0xa5: {  	s26 =	simm.s32 $execute0_lowered;
	[smem:$0x3FD2] =	sst s25  }
0xa6: {  	s4 =	sshll.u32 s26, $0x1;
	_ =	strace $0x80000046;
	[dreg:$0x1] =	wrdreg $0xFFFFFFFF  }
0xa7: {  	s28 =	simm.s32 $_size_execute0_lowered;
	s2 =	sadd.s32 s2, s4;
	[dreg:$0x0] =	wrdreg $0x0  }
0xa8: {  	s4 =	sshll.u32 s28, $0x1;
	[dreg:$0x2] =	wrdreg s2  }
0xa9: {  	[dreg:$0x3] =	wrdreg s4  }
0xaa: {  	[dreg:$0x4] =	wrdreg $0xC0  }
0xab: {  	_ =	task [dreg:s6], $0x5FFFF  }
0xac: {  	[dreg:$0x1] =	wrdreg $0xFFFFFFFF  }
0xad: {  	[dreg:$0x0] =	wrdreg $0x60  }
0xae: {  	[dreg:$0x2] =	wrdreg s24  }
0xaf: {  	[dreg:$0x3] =	wrdreg $0x9  }
0xb0: {  	_ =	task.clear_ibuf [dreg:s6], $0x4FFFF;
	_ =	strace $0x90000046  }
0xb1: {  	s29 =	simm.s32 $0x9;
	_ =	strace $0x80000048  }
0xb2: {  	_ =	swait.ge [sflag:s29], $0x1  }
0xb3: {  	[sflag:s29] =	ssyncadd.s32 $0xFFFFFFFF  }
0xb4: {  	_ =	strace $0x90000048  }
0xb5: {  	_ =	sfence  }
0xb6: {  	s30 =	sld [smem:$0x0];
	_ =	sdelay $0x2  }
0xb7: {  	s31 =	sshll.u32 s1, $0xD;
	s1 =	sshrl.u32 s1, $0x2  }
0xb8: {  	s3 =	sand.u32 $0x4000, s31;
	s1 =	sadd.s32 s1, s30  }
0xb9: {  	s0 =	sor.u32 s3, s0;
	s1 =	sshll.u32 s1, $0x11  }
0xba: {  	s0 =	sor.u32 s1, s0  }
0xbb: {  	s0 =	sadd.s32 $0x8F2B, s0  }
0xbc: {  	[sflag:s0] =	ssyncadd.remote.s32 $0x1  }
0xbd: {  	_ =	sfence.sel $0xFFFF  }
0xbe: {  	[dreg:$0x0] =	wrdreg $0xFFFFFFFF;
	(pc) =	sbr.abs _section_cstart, $3  }
0xbf: {  	[dreg:$0x1] =	wrdreg $0xFFFFFFFF  }
0xc0: {  	_ =	task.clear_ibuf [dreg:s6], $0x2FFFF;
	_ =	strace $0x9FFFFFFF  }
0xc1: {  	(tm) =	ssettm $0x7FFFFFFF  }
tec
execute0_lowered:
.L_overlay_start_1:
0x0: {  	(tag) =	ssettag $0x1  }
0x1: {  	s1 =	srdreg.scid  }
0x2: {  	s0 =	stileid.u32;
	s6 =	rddreg [dreg:$0x0];
	s2 =	simm.s32 $0x0  }
0x3: {  	s11 =	simm.s32 $0x4400;
	s12 =	simm.s32 $0xB480;
	s31 =	simm.s32 $0x5400  }
0x4: {  	s13 =	simm.s32 $0x6400;
	s14 =	simm.s32 $0xB580;
	s15 =	simm.s32 $0x7400  }
0x5: {  	s16 =	simm.s32 $0xB600;
	s17 =	simm.s32 $0x8400;
	s18 =	simm.s32 $0xB680  }
0x6: {  	s19 =	simm.s32 $0x9400;
	s20 =	simm.s32 $0xB700;
	s21 =	simm.s32 $0xA400  }
0x7: {  	s22 =	simm.s32 $0xB780;
	s23 =	simm.s32 $0x1;
	s24 =	simm.s32 $0x2  }
0x8: {  	s25 =	simm.s32 $0x0;
	s5 =	sand.u32 $0x1, s1;
	s8 =	smul.u32 $0x6800, s0  }
0x9: {  	s26 =	sshll.u32 s0, $0x1;
	[smem:$0x7FF] =	sst s2;
	s10 =	smul.u32 $0x1A000, s0  }
0xa: {  	s4 =	sadd.s32 $0xFA00, s6;
	s3 =	sor.u32 s5, s26;
	s9 =	smul.u32 $0x3400, s5  }
0xb: {  	_ =	strace $0x80000047;
	s28 =	smul.u32 $0xD000, s5;
	[dreg:$0x3] =	wrdreg s11  }
0xc: {  	s5 =	ssub.s32 $0x2, s5;
	s11 =	simm.s32 $0xB400;
	[dreg:$0x4] =	wrdreg s12  }
0xd: {  	[dreg:$0x5] =	wrdreg s31;
	s12 =	simm.s32 $0xB500;
	s7 =	smul.u32 $0x680, s3  }
0xe: {  	s3 =	sadd.s32 $0x27AEE00, s6;
	s10 =	sadd.s32 s10, s6;
	s29 =	sshrl.u32 s5, $0x1  }
0xf: {  	s8 =	sadd.s32 s9, s8;
	s9 =	sadd.s32 s28, s10;
	s10 =	simm.s32 $0x3400  }
0x10: {  	s7 =	sadd.s32 s7, s6;
	s8 =	sshrl.u32 s8, $0x3;
	s9 =	sadd.s32 $0x5F000, s9  }
0x11: {  	s8 =	sadd.s32 s8, s6;
	s30 =	sadd.s32 $0x2A00, s7;
	[dreg:$0x2] =	wrdreg s9  }
0x12: {  	s6 =	ssub.s32 s5, s29;
	s9 =	simm.s32 $0x80;
	[dreg:$0x6] =	wrdreg s30  }
0x13: {  	s6 =	smax.u32 s6, $0x1;
	s7 =	sadd.s32 $0x1FF000, s8;
	s8 =	simm.s32 $0x3  }
.LBB2_1:
0x14: {  	s0 =	rddreg [dreg:$0x6]  }
0x15: {  	[tilespmem:s2], [sflag:$0x3] =	stream.linear.gather [hbm4b:s0+s2], $0x3400, $0x38;
	[tilespmem:$0xB800] =	vst v63  }
0x16: {  	_ =	swait.ge [sflag:s8], $0x3400  }
0x17: {  	[sflag:s8] =	ssyncset.done $0x0  }
0x18: {  	s26 =	simm.s32 $0x0;
	[sflag:s8] =	ssyncadd.s32 $0xFFFFCC00  }
0x19: {  	[tilespmem:s10], [sflag:$0x1] =	stream.indirect.gather [hbm4b:s3+s9], $0x20, s26, s9, $0xb8;
	[tilespmem:$0xB800] =	vst v63  }
0x1a: {  	_ = 	snop  }
0x1b: {  	[tilespmem:s11], [sflag:$0x2] =	stream.indirect.gather [hbm4b:s4+s9], $0x1, s26, s9, $0xb8;
	[tilespmem:$0xB800] =	vst v63  }
0x1c: {  	s5 =	simm.s32 $0x80;
	s28 =	rddreg [dreg:$0x3]  }
0x1d: {  	[tilespmem:s28], [sflag:$0x1] =	stream.indirect.gather [hbm4b:s3+s9], $0x20, s5, s9, $0xb8;
	[tilespmem:$0xB800] =	vst v63  }
0x1e: {  	s29 =	rddreg [dreg:$0x4]  }
0x1f: {  	[tilespmem:s29], [sflag:$0x2] =	stream.indirect.gather [hbm4b:s4+s9], $0x1, s5, s9, $0xb8;
	[tilespmem:$0xB800] =	vst v63  }
0x20: {  	s28 =	rddreg [dreg:$0x5];
	s29 =	simm.s32 $0x100  }
0x21: {  	[tilespmem:s28], [sflag:$0x1] =	stream.indirect.gather [hbm4b:s3+s9], $0x20, s29, s9, $0xb8;
	[tilespmem:$0xB800] =	vst v63  }
0x22: {  	_ = 	snop  }
0x23: {  	[tilespmem:s12], [sflag:$0x2] =	stream.indirect.gather [hbm4b:s4+s9], $0x1, s29, s9, $0xb8;
	[tilespmem:$0xB800] =	vst v63  }
0x24: {  	s30 =	simm.s32 $0x180  }
0x25: {  	[tilespmem:s13], [sflag:$0x1] =	stream.indirect.gather [hbm4b:s3+s9], $0x20, s30, s9, $0xb8;
	[tilespmem:$0xB800] =	vst v63  }
0x26: {  	_ = 	snop  }
0x27: {  	[tilespmem:s14], [sflag:$0x2] =	stream.indirect.gather [hbm4b:s4+s9], $0x1, s30, s9, $0xb8;
	[tilespmem:$0xB800] =	vst v63  }
0x28: {  	s0 =	simm.s32 $0x200  }
0x29: {  	[tilespmem:s15], [sflag:$0x1] =	stream.indirect.gather [hbm4b:s3+s9], $0x20, s0, s9, $0xb8;
	[tilespmem:$0xB800] =	vst v63  }
0x2a: {  	_ = 	snop  }
0x2b: {  	[tilespmem:s16], [sflag:$0x2] =	stream.indirect.gather [hbm4b:s4+s9], $0x1, s0, s9, $0xb8;
	[tilespmem:$0xB800] =	vst v63  }
0x2c: {  	s1 =	simm.s32 $0x280  }
0x2d: {  	[tilespmem:s17], [sflag:$0x1] =	stream.indirect.gather [hbm4b:s3+s9], $0x20, s1, s9, $0xb8;
	[tilespmem:$0xB800] =	vst v63  }
0x2e: {  	_ = 	snop  }
0x2f: {  	[tilespmem:s18], [sflag:$0x2] =	stream.indirect.gather [hbm4b:s4+s9], $0x1, s1, s9, $0xb8;
	[tilespmem:$0xB800] =	vst v63  }
0x30: {  	s5 =	simm.s32 $0x300  }
0x31: {  	[tilespmem:s19], [sflag:$0x1] =	stream.indirect.gather [hbm4b:s3+s9], $0x20, s5, s9, $0xb8;
	[tilespmem:$0xB800] =	vst v63  }
0x32: {  	_ = 	snop  }
0x33: {  	[tilespmem:s20], [sflag:$0x2] =	stream.indirect.gather [hbm4b:s4+s9], $0x1, s5, s9, $0xb8;
	[tilespmem:$0xB800] =	vst v63  }
0x34: {  	s29 =	simm.s32 $0x380  }
0x35: {  	[tilespmem:s21], [sflag:$0x1] =	stream.indirect.gather [hbm4b:s3+s9], $0x20, s29, s9, $0xb8;
	[tilespmem:$0xB800] =	vst v63  }
0x36: {  	_ = 	snop  }
0x37: {  	[tilespmem:s22], [sflag:$0x2] =	stream.indirect.gather [hbm4b:s4+s9], $0x1, s29, s9, $0xb8;
	[tilespmem:$0xB800] =	vst v63  }
0x38: {  	_ =	swait.ge [sflag:s23], $0x1000  }
0x39: {  	[sflag:s23] =	ssyncset.done $0x0  }
0x3a: {  	[sflag:s23] =	ssyncadd.s32 $0xFFFFF000  }
0x3b: {  	_ =	swait.ge [sflag:s24], $0x80  }
0x3c: {  	[sflag:s24] =	ssyncset.done $0x0  }
0x3d: {  	[sflag:s24] =	ssyncadd.s32 $0xFFFFFF80  }
0x3e: {  	_ =	swait.ge [sflag:s23], $0x1000  }
0x3f: {  	[sflag:s23] =	ssyncset.done $0x0  }
0x40: {  	[sflag:s23] =	ssyncadd.s32 $0xFFFFF000  }
0x41: {  	_ =	swait.ge [sflag:s24], $0x80  }
0x42: {  	[sflag:s24] =	ssyncset.done $0x0  }
0x43: {  	[sflag:s24] =	ssyncadd.s32 $0xFFFFFF80  }
0x44: {  	_ =	swait.ge [sflag:s23], $0x1000  }
0x45: {  	[sflag:s23] =	ssyncset.done $0x0  }
0x46: {  	[sflag:s23] =	ssyncadd.s32 $0xFFFFF000  }
0x47: {  	_ =	swait.ge [sflag:s24], $0x80  }
0x48: {  	[sflag:s24] =	ssyncset.done $0x0  }
0x49: {  	[sflag:s24] =	ssyncadd.s32 $0xFFFFFF80  }
0x4a: {  	_ =	swait.ge [sflag:s23], $0x1000  }
0x4b: {  	[sflag:s23] =	ssyncset.done $0x0  }
0x4c: {  	[sflag:s23] =	ssyncadd.s32 $0xFFFFF000  }
0x4d: {  	_ =	swait.ge [sflag:s24], $0x80  }
0x4e: {  	[sflag:s24] =	ssyncset.done $0x0  }
0x4f: {  	[sflag:s24] =	ssyncadd.s32 $0xFFFFFF80  }
0x50: {  	_ =	swait.ge [sflag:s23], $0x1000  }
0x51: {  	[sflag:s23] =	ssyncset.done $0x0  }
0x52: {  	[sflag:s23] =	ssyncadd.s32 $0xFFFFF000  }
0x53: {  	_ =	swait.ge [sflag:s24], $0x80  }
0x54: {  	[sflag:s24] =	ssyncset.done $0x0  }
0x55: {  	[sflag:s24] =	ssyncadd.s32 $0xFFFFFF80  }
0x56: {  	_ =	swait.ge [sflag:s23], $0x1000  }
0x57: {  	[sflag:s23] =	ssyncset.done $0x0  }
0x58: {  	[sflag:s23] =	ssyncadd.s32 $0xFFFFF000  }
0x59: {  	_ =	swait.ge [sflag:s24], $0x80  }
0x5a: {  	[sflag:s24] =	ssyncset.done $0x0  }
0x5b: {  	[sflag:s24] =	ssyncadd.s32 $0xFFFFFF80  }
0x5c: {  	_ =	swait.ge [sflag:s23], $0x1000  }
0x5d: {  	[sflag:s23] =	ssyncset.done $0x0  }
0x5e: {  	[sflag:s23] =	ssyncadd.s32 $0xFFFFF000  }
0x5f: {  	_ =	swait.ge [sflag:s24], $0x80  }
0x60: {  	[sflag:s24] =	ssyncset.done $0x0  }
0x61: {  	[sflag:s24] =	ssyncadd.s32 $0xFFFFFF80  }
0x62: {  	_ =	swait.ge [sflag:s23], $0x1000  }
0x63: {  	[sflag:s23] =	ssyncset.done $0x0  }
0x64: {  	[sflag:s23] =	ssyncadd.s32 $0xFFFFF000  }
0x65: {  	_ =	swait.ge [sflag:s24], $0x80  }
0x66: {  	s30 =	rddreg [dreg:$0x2];
	[sflag:s24] =	ssyncset.done $0x0  }
0x67: {  	[sflag:s24] =	ssyncadd.s32 $0xFFFFFF80;
	s26 =	sadd.s32 $0x0, s30  }
0x68: {  	[hbm4b:s26+s2] =	stream.linear.scatter [tilespmem:s10], [sflag:$0x3], $0x8000, $0x38;
	[tilespmem:$0xB800] =	vst v63  }
0x69: {  	_ =	swait.ge [sflag:s8], $0x8000  }
0x6a: {  	[sflag:s8] =	ssyncset.done $0x0  }
0x6b: {  	[sflag:s8] =	ssyncadd.s32 $0xFFFF8000  }
0x6c: {  	[hbm4b:s7+s2] =	stream.linear.scatter [tilespmem:s11], [sflag:$0x3], $0x400, $0x38;
	[tilespmem:$0xB800] =	vst v63  }
0x6d: {  	s31 =	simm.s32 $0x2000;
	_ =	swait.ge [sflag:s8], $0x400  }
0x6e: {  	s28 =	simm.s32 $0x1000;
	s26 =	sadd.s32 $0x80, s7;
	[sflag:s8] =	ssyncset.done $0x0  }
.LBB2_2:
0x6f: {  	s1 =	sshra.s32 s28, $0x2;
	[sflag:s8] =	ssyncadd.s32 $0xFFFFFC00  }
0x70: {  	[tilespmem:s10], [sflag:$0x1] =	stream.indirect.gather [hbm4b:s3+s9], $0x20, s1, s9, $0xb8;
	[tilespmem:$0xB800] =	vst v63  }
0x71: {  	s30 =	smov.u32 s31;
	s29 =	sadd.s32 $0x1000, s31  }
0x72: {  	[tilespmem:s11], [sflag:$0x2] =	stream.indirect.gather [hbm4b:s4+s9], $0x1, s1, s9, $0xb8;
	[tilespmem:$0xB800] =	vst v63  }
0x73: {  	p0 =	sne.s32 s31, $0xC000;
	s31 =	rddreg [dreg:$0x3];
	s0 =	sadd.s32 $0x80, s1  }
0x74: {  	[tilespmem:s31], [sflag:$0x1] =	stream.indirect.gather [hbm4b:s3+s9], $0x20, s0, s9, $0xb8;
	[tilespmem:$0xB800] =	vst v63  }
0x75: {  	s5 =	rddreg [dreg:$0x4]  }
0x76: {  	[tilespmem:s5], [sflag:$0x2] =	stream.indirect.gather [hbm4b:s4+s9], $0x1, s0, s9, $0xb8;
	[tilespmem:$0xB800] =	vst v63  }
0x77: {  	s31 =	rddreg [dreg:$0x5];
	s5 =	sadd.s32 $0x100, s1  }
0x78: {  	[tilespmem:s31], [sflag:$0x1] =	stream.indirect.gather [hbm4b:s3+s9], $0x20, s5, s9, $0xb8;
	[tilespmem:$0xB800] =	vst v63  }
0x79: {  	_ = 	snop  }
0x7a: {  	[tilespmem:s12], [sflag:$0x2] =	stream.indirect.gather [hbm4b:s4+s9], $0x1, s5, s9, $0xb8;
	[tilespmem:$0xB800] =	vst v63  }
0x7b: {  	s5 =	sadd.s32 $0x180, s1  }
0x7c: {  	[tilespmem:s13], [sflag:$0x1] =	stream.indirect.gather [hbm4b:s3+s9], $0x20, s5, s9, $0xb8;
	[tilespmem:$0xB800] =	vst v63  }
0x7d: {  	_ = 	snop  }
0x7e: {  	[tilespmem:s14], [sflag:$0x2] =	stream.indirect.gather [hbm4b:s4+s9], $0x1, s5, s9, $0xb8;
	[tilespmem:$0xB800] =	vst v63  }
0x7f: {  	s5 =	sadd.s32 $0x200, s1  }
0x80: {  	[tilespmem:s15], [sflag:$0x1] =	stream.indirect.gather [hbm4b:s3+s9], $0x20, s5, s9, $0xb8;
	[tilespmem:$0xB800] =	vst v63  }
0x81: {  	_ = 	snop  }
0x82: {  	[tilespmem:s16], [sflag:$0x2] =	stream.indirect.gather [hbm4b:s4+s9], $0x1, s5, s9, $0xb8;
	[tilespmem:$0xB800] =	vst v63  }
0x83: {  	s5 =	sadd.s32 $0x280, s1  }
0x84: {  	[tilespmem:s17], [sflag:$0x1] =	stream.indirect.gather [hbm4b:s3+s9], $0x20, s5, s9, $0xb8;
	[tilespmem:$0xB800] =	vst v63  }
0x85: {  	_ = 	snop  }
0x86: {  	[tilespmem:s18], [sflag:$0x2] =	stream.indirect.gather [hbm4b:s4+s9], $0x1, s5, s9, $0xb8;
	[tilespmem:$0xB800] =	vst v63  }
0x87: {  	s5 =	sadd.s32 $0x300, s1  }
0x88: {  	[tilespmem:s19], [sflag:$0x1] =	stream.indirect.gather [hbm4b:s3+s9], $0x20, s5, s9, $0xb8;
	[tilespmem:$0xB800] =	vst v63  }
0x89: {  	_ = 	snop  }
0x8a: {  	[tilespmem:s20], [sflag:$0x2] =	stream.indirect.gather [hbm4b:s4+s9], $0x1, s5, s9, $0xb8;
	[tilespmem:$0xB800] =	vst v63  }
0x8b: {  	s1 =	sadd.s32 $0x380, s1  }
0x8c: {  	[tilespmem:s21], [sflag:$0x1] =	stream.indirect.gather [hbm4b:s3+s9], $0x20, s1, s9, $0xb8;
	[tilespmem:$0xB800] =	vst v63  }
0x8d: {  	_ = 	snop  }
0x8e: {  	[tilespmem:s22], [sflag:$0x2] =	stream.indirect.gather [hbm4b:s4+s9], $0x1, s1, s9, $0xb8;
	[tilespmem:$0xB800] =	vst v63  }
0x8f: {  	_ =	swait.ge [sflag:s23], $0x1000  }
0x90: {  	[sflag:s23] =	ssyncset.done $0x0  }
0x91: {  	[sflag:s23] =	ssyncadd.s32 $0xFFFFF000  }
0x92: {  	_ =	swait.ge [sflag:s24], $0x80  }
0x93: {  	[sflag:s24] =	ssyncset.done $0x0  }
0x94: {  	[sflag:s24] =	ssyncadd.s32 $0xFFFFFF80  }
0x95: {  	_ =	swait.ge [sflag:s23], $0x1000  }
0x96: {  	[sflag:s23] =	ssyncset.done $0x0  }
0x97: {  	[sflag:s23] =	ssyncadd.s32 $0xFFFFF000  }
0x98: {  	_ =	swait.ge [sflag:s24], $0x80  }
0x99: {  	[sflag:s24] =	ssyncset.done $0x0  }
0x9a: {  	[sflag:s24] =	ssyncadd.s32 $0xFFFFFF80  }
0x9b: {  	_ =	swait.ge [sflag:s23], $0x1000  }
0x9c: {  	[sflag:s23] =	ssyncset.done $0x0  }
0x9d: {  	[sflag:s23] =	ssyncadd.s32 $0xFFFFF000  }
0x9e: {  	_ =	swait.ge [sflag:s24], $0x80  }
0x9f: {  	[sflag:s24] =	ssyncset.done $0x0  }
0xa0: {  	[sflag:s24] =	ssyncadd.s32 $0xFFFFFF80  }
0xa1: {  	_ =	swait.ge [sflag:s23], $0x1000  }
0xa2: {  	[sflag:s23] =	ssyncset.done $0x0  }
0xa3: {  	[sflag:s23] =	ssyncadd.s32 $0xFFFFF000  }
0xa4: {  	_ =	swait.ge [sflag:s24], $0x80  }
0xa5: {  	[sflag:s24] =	ssyncset.done $0x0  }
0xa6: {  	[sflag:s24] =	ssyncadd.s32 $0xFFFFFF80  }
0xa7: {  	_ =	swait.ge [sflag:s23], $0x1000  }
0xa8: {  	[sflag:s23] =	ssyncset.done $0x0  }
0xa9: {  	[sflag:s23] =	ssyncadd.s32 $0xFFFFF000  }
0xaa: {  	_ =	swait.ge [sflag:s24], $0x80  }
0xab: {  	[sflag:s24] =	ssyncset.done $0x0  }
0xac: {  	[sflag:s24] =	ssyncadd.s32 $0xFFFFFF80  }
0xad: {  	_ =	swait.ge [sflag:s23], $0x1000  }
0xae: {  	[sflag:s23] =	ssyncset.done $0x0  }
0xaf: {  	[sflag:s23] =	ssyncadd.s32 $0xFFFFF000  }
0xb0: {  	_ =	swait.ge [sflag:s24], $0x80  }
0xb1: {  	[sflag:s24] =	ssyncset.done $0x0  }
0xb2: {  	[sflag:s24] =	ssyncadd.s32 $0xFFFFFF80  }
0xb3: {  	_ =	swait.ge [sflag:s23], $0x1000  }
0xb4: {  	[sflag:s23] =	ssyncset.done $0x0  }
0xb5: {  	[sflag:s23] =	ssyncadd.s32 $0xFFFFF000  }
0xb6: {  	_ =	swait.ge [sflag:s24], $0x80  }
0xb7: {  	[sflag:s24] =	ssyncset.done $0x0  }
0xb8: {  	[sflag:s24] =	ssyncadd.s32 $0xFFFFFF80  }
0xb9: {  	_ =	swait.ge [sflag:s23], $0x1000  }
0xba: {  	[sflag:s23] =	ssyncset.done $0x0  }
0xbb: {  	[sflag:s23] =	ssyncadd.s32 $0xFFFFF000  }
0xbc: {  	_ =	swait.ge [sflag:s24], $0x80  }
0xbd: {  	s5 =	rddreg [dreg:$0x2];
	[sflag:s24] =	ssyncset.done $0x0  }
0xbe: {  	[sflag:s24] =	ssyncadd.s32 $0xFFFFFF80;
	s0 =	sadd.s32 s28, s5  }
0xbf: {  	[hbm4b:s0+s2] =	stream.linear.scatter [tilespmem:s10], [sflag:$0x3], $0x8000, $0x38;
	[tilespmem:$0xB800] =	vst v63  }
0xc0: {  	_ =	swait.ge [sflag:s8], $0x8000  }
.Ltmp0:
0xc1: {  	[sflag:s8] =	ssyncset.done $0x0;
	(pc) =	sbr.rel @p0 .LBB2_2-.Ltmp0, $4  }
0xc2: {  	[sflag:s8] =	ssyncadd.s32 $0xFFFF8000  }
0xc3: {  	[hbm4b:s26+s2] =	stream.linear.scatter [tilespmem:s11], [sflag:$0x3], $0x400, $0x38;
	[tilespmem:$0xB800] =	vst v63  }
0xc4: {  	s31 =	smov.u32 s29;
	_ =	swait.ge [sflag:s8], $0x400  }
0xc5: {  	s28 =	smov.u32 s30;
	s26 =	sadd.s32 $0x80, s26;
	[sflag:s8] =	ssyncset.done $0x0  }
0xc6: {  	s0 =	sshra.s32 s28, $0x2;
	[sflag:s8] =	ssyncadd.s32 $0xFFFFFC00  }
0xc7: {  	[tilespmem:s10], [sflag:$0x1] =	stream.indirect.gather [hbm4b:s3+s9], $0x20, s0, s9, $0xb8;
	[tilespmem:$0xB800] =	vst v63  }
0xc8: {  	_ = 	snop  }
0xc9: {  	[tilespmem:s11], [sflag:$0x2] =	stream.indirect.gather [hbm4b:s4+s9], $0x1, s0, s9, $0xb8;
	[tilespmem:$0xB800] =	vst v63  }
0xca: {  	s1 =	rddreg [dreg:$0x3];
	s5 =	sadd.s32 $0x80, s0  }
0xcb: {  	[tilespmem:s1], [sflag:$0x1] =	stream.indirect.gather [hbm4b:s3+s9], $0x20, s5, s9, $0xb8;
	[tilespmem:$0xB800] =	vst v63  }
0xcc: {  	s29 =	rddreg [dreg:$0x4]  }
0xcd: {  	[tilespmem:s29], [sflag:$0x2] =	stream.indirect.gather [hbm4b:s4+s9], $0x1, s5, s9, $0xb8;
	[tilespmem:$0xB800] =	vst v63  }
0xce: {  	s31 =	rddreg [dreg:$0x5];
	s30 =	sadd.s32 $0x100, s0  }
0xcf: {  	[tilespmem:s31], [sflag:$0x1] =	stream.indirect.gather [hbm4b:s3+s9], $0x20, s30, s9, $0xb8;
	[tilespmem:$0xB800] =	vst v63  }
0xd0: {  	_ = 	snop  }
0xd1: {  	[tilespmem:s12], [sflag:$0x2] =	stream.indirect.gather [hbm4b:s4+s9], $0x1, s30, s9, $0xb8;
	[tilespmem:$0xB800] =	vst v63  }
0xd2: {  	s31 =	sadd.s32 $0x180, s0  }
0xd3: {  	[tilespmem:s13], [sflag:$0x1] =	stream.indirect.gather [hbm4b:s3+s9], $0x20, s31, s9, $0xb8;
	[tilespmem:$0xB800] =	vst v63  }
0xd4: {  	_ = 	snop  }
0xd5: {  	[tilespmem:s14], [sflag:$0x2] =	stream.indirect.gather [hbm4b:s4+s9], $0x1, s31, s9, $0xb8;
	[tilespmem:$0xB800] =	vst v63  }
0xd6: {  	s5 =	sadd.s32 $0x200, s0  }
0xd7: {  	[tilespmem:s15], [sflag:$0x1] =	stream.indirect.gather [hbm4b:s3+s9], $0x20, s5, s9, $0xb8;
	[tilespmem:$0xB800] =	vst v63  }
0xd8: {  	_ = 	snop  }
0xd9: {  	[tilespmem:s16], [sflag:$0x2] =	stream.indirect.gather [hbm4b:s4+s9], $0x1, s5, s9, $0xb8;
	[tilespmem:$0xB800] =	vst v63  }
0xda: {  	s29 =	sadd.s32 $0x280, s0  }
0xdb: {  	[tilespmem:s17], [sflag:$0x1] =	stream.indirect.gather [hbm4b:s3+s9], $0x20, s29, s9, $0xb8;
	[tilespmem:$0xB800] =	vst v63  }
0xdc: {  	_ = 	snop  }
0xdd: {  	[tilespmem:s18], [sflag:$0x2] =	stream.indirect.gather [hbm4b:s4+s9], $0x1, s29, s9, $0xb8;
	[tilespmem:$0xB800] =	vst v63  }
0xde: {  	s30 =	sadd.s32 $0x300, s0  }
0xdf: {  	[tilespmem:s19], [sflag:$0x1] =	stream.indirect.gather [hbm4b:s3+s9], $0x20, s30, s9, $0xb8;
	[tilespmem:$0xB800] =	vst v63  }
0xe0: {  	_ = 	snop  }
0xe1: {  	[tilespmem:s20], [sflag:$0x2] =	stream.indirect.gather [hbm4b:s4+s9], $0x1, s30, s9, $0xb8;
	[tilespmem:$0xB800] =	vst v63  }
0xe2: {  	s0 =	sadd.s32 $0x380, s0  }
0xe3: {  	[tilespmem:s21], [sflag:$0x1] =	stream.indirect.gather [hbm4b:s3+s9], $0x20, s0, s9, $0xb8;
	[tilespmem:$0xB800] =	vst v63  }
0xe4: {  	_ = 	snop  }
0xe5: {  	[tilespmem:s22], [sflag:$0x2] =	stream.indirect.gather [hbm4b:s4+s9], $0x1, s0, s9, $0xb8;
	[tilespmem:$0xB800] =	vst v63  }
0xe6: {  	_ =	swait.ge [sflag:s23], $0x1000  }
0xe7: {  	[sflag:s23] =	ssyncset.done $0x0  }
0xe8: {  	[sflag:s23] =	ssyncadd.s32 $0xFFFFF000  }
0xe9: {  	_ =	swait.ge [sflag:s24], $0x80  }
0xea: {  	[sflag:s24] =	ssyncset.done $0x0  }
0xeb: {  	[sflag:s24] =	ssyncadd.s32 $0xFFFFFF80  }
0xec: {  	_ =	swait.ge [sflag:s23], $0x1000  }
0xed: {  	[sflag:s23] =	ssyncset.done $0x0  }
0xee: {  	[sflag:s23] =	ssyncadd.s32 $0xFFFFF000  }
0xef: {  	_ =	swait.ge [sflag:s24], $0x80  }
0xf0: {  	[sflag:s24] =	ssyncset.done $0x0  }
0xf1: {  	[sflag:s24] =	ssyncadd.s32 $0xFFFFFF80  }
0xf2: {  	_ =	swait.ge [sflag:s23], $0x1000  }
0xf3: {  	[sflag:s23] =	ssyncset.done $0x0  }
0xf4: {  	[sflag:s23] =	ssyncadd.s32 $0xFFFFF000  }
0xf5: {  	_ =	swait.ge [sflag:s24], $0x80  }
0xf6: {  	[sflag:s24] =	ssyncset.done $0x0  }
0xf7: {  	[sflag:s24] =	ssyncadd.s32 $0xFFFFFF80  }
0xf8: {  	_ =	swait.ge [sflag:s23], $0x1000  }
0xf9: {  	[sflag:s23] =	ssyncset.done $0x0  }
0xfa: {  	[sflag:s23] =	ssyncadd.s32 $0xFFFFF000  }
0xfb: {  	_ =	swait.ge [sflag:s24], $0x80  }
0xfc: {  	[sflag:s24] =	ssyncset.done $0x0  }
0xfd: {  	[sflag:s24] =	ssyncadd.s32 $0xFFFFFF80  }
0xfe: {  	_ =	swait.ge [sflag:s23], $0x1000  }
0xff: {  	[sflag:s23] =	ssyncset.done $0x0  }
0x100: {  	[sflag:s23] =	ssyncadd.s32 $0xFFFFF000  }
0x101: {  	_ =	swait.ge [sflag:s24], $0x80  }
0x102: {  	[sflag:s24] =	ssyncset.done $0x0  }
0x103: {  	[sflag:s24] =	ssyncadd.s32 $0xFFFFFF80  }
0x104: {  	_ =	swait.ge [sflag:s23], $0x1000  }
0x105: {  	[sflag:s23] =	ssyncset.done $0x0  }
0x106: {  	[sflag:s23] =	ssyncadd.s32 $0xFFFFF000  }
0x107: {  	_ =	swait.ge [sflag:s24], $0x80  }
0x108: {  	[sflag:s24] =	ssyncset.done $0x0  }
0x109: {  	[sflag:s24] =	ssyncadd.s32 $0xFFFFFF80  }
0x10a: {  	_ =	swait.ge [sflag:s23], $0x1000  }
0x10b: {  	[sflag:s23] =	ssyncset.done $0x0  }
0x10c: {  	[sflag:s23] =	ssyncadd.s32 $0xFFFFF000  }
0x10d: {  	_ =	swait.ge [sflag:s24], $0x80  }
0x10e: {  	[sflag:s24] =	ssyncset.done $0x0  }
0x10f: {  	[sflag:s24] =	ssyncadd.s32 $0xFFFFFF80  }
0x110: {  	_ =	swait.ge [sflag:s23], $0x1000  }
0x111: {  	[sflag:s23] =	ssyncset.done $0x0  }
0x112: {  	[sflag:s23] =	ssyncadd.s32 $0xFFFFF000  }
0x113: {  	_ =	swait.ge [sflag:s24], $0x80  }
0x114: {  	s31 =	rddreg [dreg:$0x2];
	[sflag:s24] =	ssyncset.done $0x0  }
0x115: {  	s0 =	sadd.s32 s28, s31;
	[sflag:s24] =	ssyncadd.s32 $0xFFFFFF80  }
0x116: {  	[hbm4b:s0+s2] =	stream.linear.scatter [tilespmem:s10], [sflag:$0x3], $0x8000, $0x38;
	[tilespmem:$0xB800] =	vst v63  }
0x117: {  	s25 =	sadd.s32 $0x1, s25;
	_ =	swait.ge [sflag:s8], $0x8000  }
0x118: {  	p0 =	sne.s32 s25, s6;
	[sflag:s8] =	ssyncset.done $0x0  }
.Ltmp1:
0x119: {  	[sflag:s8] =	ssyncadd.s32 $0xFFFF8000;
	(pc) =	sbr.rel @p0 .LBB2_1-.Ltmp1, $4  }
0x11a: {  	[hbm4b:s26+s2] =	stream.linear.scatter [tilespmem:s11], [sflag:$0x3], $0x400, $0x38;
	[tilespmem:$0xB800] =	vst v63  }
0x11b: {  	_ =	swait.ge [sflag:s8], $0x400  }
0x11c: {  	[sflag:s8] =	ssyncset.done $0x0  }
0x11d: {  	[sflag:s8] =	ssyncadd.s32 $0xFFFFFC00  }
0x11e: {  	_ =	sfence.sel $0x180000  }
0x11f: {  	[bflag:$0x0] =	sbarrier.arrive $0xFFFF  }
0x120: {  	_ =	strace $0x90000047  }
0x121: {  	s0 =	stileid.u32;
	[bflag:$0x2] =	sbarrier.arrive $0xFFFF  }
0x122: {  	p0 =	sne.s32 s0, $0x0;
	s0 =	rddreg [dreg:$0x1]  }
0x123: {  	s0 =	sadd.s32 @!p0 $0x100000, s0  }
0x124: {  	[sflag:s0] =	ssyncadd.tile.s32 @!p0 $0x1;
	_ =	shalt  }
.Lfunc_end2:
_tile_overlayer_lowered:
.L_overlay_start_2:
0x125: {  	(tag) =	ssettag $0x2  }
0x126: {  	s0 =	rddreg [dreg:$0x0];
	s2 =	stileid.u32  }
0x127: {  	s1 =	rddreg [dreg:$0x1];
	p0 =	sne.s32 s2, $0x0  }
0x128: {  	s3 =	rddreg [dreg:$0x2];
	[bflag:$0x3] =	sbarrier.arrive $0xFFFF;
	s2 =	simm.s32 @!p0 $0x1C03  }
0x129: {  	[timem:s3], [sflag:s2] =	dma.local @!p0 [hbm:s0], s1  }
0x12a: {  	s0 =	simm.s32 @!p0 $0x3  }
0x12b: {  	_ =	swait.ge @!p0 [sflag:s0], s1  }
0x12c: {  	s1 =	ssub.s32 @!p0 $0x0, s1;
	[sflag:s0] =	ssyncset.done @!p0 $0x0  }
0x12d: {  	[sflag:s0] =	ssyncadd.s32 @!p0 s1  }
0x12e: {  	[bflag:$0x3] =	sbarrier.arrive $0xFFFF  }
0x12f: {  	_ =	shalt  }

</sc_bundles>
